<compile_context>
chip_gen: v7x
topology: tpu7x:2x2x1
jax: 0.10.2.dev20260603
libtpu: 0.0.44.dev20260713+nightly
codegen_flags: <defaults>
</compile_context>

<pallas_src>
import functools

import jax
import jax.numpy as jnp
from jax import lax
from jax.experimental import pallas as pl
from jax.experimental.pallas import tpu as pltpu
from jax.experimental.pallas import tpu_sc as plsc

B = 4096
L = 200
D = 128
LANES = 16
NWORKERS = 32
RPW = B // NWORKERS
LPAD = 208
NCH = LPAD // LANES
GCH = 2
GSZ = L // GCH


def _fire(ent_hbm, idxe_v, buf, sem, r):
    for g in range(GCH):
        pltpu.async_copy(ent_hbm.at[idxe_v.at[r, g]],
                         buf.at[pl.ds(g * GSZ, GSZ)], sem)


def _drain(ent_hbm, idxe_v, buf, sem, r):
    for g in range(GCH):
        pltpu.make_async_copy(ent_hbm.at[idxe_v.at[r, g]],
                              buf.at[pl.ds(g * GSZ, GSZ)], sem).wait()


def _softmax_weights(idxr_v, ewt_v, p_v, r):
    lane = lax.iota(jnp.int32, LANES)
    m = jnp.full((LANES,), -3e38, jnp.float32)
    for j in range(NCH):
        idx16 = idxr_v[r, pl.ds(j * LANES, LANES)]
        w16 = plsc.load_gather(ewt_v, [idx16])
        if (j + 1) * LANES > L:
            w16 = jnp.where(lane < (L - j * LANES), w16,
                            jnp.float32(-3e38))
        m = jnp.maximum(m, w16)
        p_v[pl.ds(j * LANES, LANES)] = w16
    mx = jnp.max(m)
    s = jnp.zeros((LANES,), jnp.float32)
    for j in range(NCH):
        p16 = jnp.exp(p_v[pl.ds(j * LANES, LANES)] - mx)
        s = s + p16
        p_v[pl.ds(j * LANES, LANES)] = p16
    return jnp.sum(s)


def _accumulate(buf, p_v, out_v, denom):
    def body(k, accs):
        p = plsc.load_gather(p_v, [jnp.full((LANES,), k, jnp.int32)])
        return tuple(accs[j] + p * buf[k, pl.ds(j * LANES, LANES)]
                     for j in range(D // LANES))
    accs = lax.fori_loop(
        0, L, body,
        tuple(jnp.zeros((LANES,), jnp.float32) for _ in range(D // LANES)))
    for j in range(D // LANES):
        out_v[pl.ds(j * LANES, LANES)] = accs[j] / denom


def _sc_body(dr_hbm, de_hbm, ent_hbm, ewt_hbm, out_hbm,
             ewt_v, idxr_v, idxe_v, p_v, buf0, buf1, out0_v, out1_v,
             sem0, sem1, osem0, osem1):
    wid = lax.axis_index("c") * 16 + lax.axis_index("s")
    base = wid * RPW

    pltpu.sync_copy(de_hbm.at[pl.ds(base, RPW)], idxe_v)
    _fire(ent_hbm, idxe_v, buf0, sem0, 0)
    _fire(ent_hbm, idxe_v, buf1, sem1, 1)
    pltpu.sync_copy(dr_hbm.at[pl.ds(base, RPW)], idxr_v)
    pltpu.sync_copy(ewt_hbm, ewt_v)

    def row(r, buf, sem, out_v, osem, i):
        denom = _softmax_weights(idxr_v, ewt_v, p_v, r)
        _drain(ent_hbm, idxe_v, buf, sem, r)

        @pl.when(i > 0)
        def _():
            pltpu.make_async_copy(out_v, out_hbm.at[base + r - 2],
                                  osem).wait()

        _accumulate(buf, p_v, out_v, denom)
        pltpu.async_copy(out_v, out_hbm.at[base + r], osem)

        @pl.when(i < RPW // 2 - 1)
        def _():
            _fire(ent_hbm, idxe_v, buf, sem, r + 2)

    def body(i, carry):
        row(2 * i, buf0, sem0, out0_v, osem0, i)
        row(2 * i + 1, buf1, sem1, out1_v, osem1, i)
        return carry

    lax.fori_loop(0, RPW // 2, body, 0)
    pltpu.make_async_copy(out0_v, out_hbm.at[base + RPW - 2], osem0).wait()
    pltpu.make_async_copy(out1_v, out_hbm.at[base + RPW - 1], osem1).wait()


@jax.jit
def kernel(data_r, data_e, entity_table, edge_weight_table):
    assert data_r.shape == (B, L) and data_e.shape == (B, L)
    data_r = data_r.astype(jnp.int32)
    data_e = data_e.astype(jnp.int32)
    dr_pad = jnp.pad(data_r, ((0, 0), (0, LPAD - L)))
    de3 = data_e.reshape(B, GCH, GSZ)
    ewt = edge_weight_table.reshape(-1).astype(jnp.float32)
    ewt_pad = jnp.pad(ewt, (0, (-ewt.shape[0]) % 8))
    entity_table = entity_table.astype(jnp.float32)

    mesh = plsc.VectorSubcoreMesh(core_axis_name="c", subcore_axis_name="s")
    f = pl.kernel(
        _sc_body,
        out_type=jax.ShapeDtypeStruct((B, D), jnp.float32),
        mesh=mesh,
        compiler_params=pltpu.CompilerParams(needs_layout_passes=False),
        scratch_types=[
            pltpu.VMEM((ewt_pad.shape[0],), jnp.float32),
            pltpu.VMEM((RPW, LPAD), jnp.int32),
            pltpu.VMEM((RPW, GCH, GSZ), jnp.int32),
            pltpu.VMEM((LPAD,), jnp.float32),
            pltpu.VMEM((L, D), jnp.float32),
            pltpu.VMEM((L, D), jnp.float32),
            pltpu.VMEM((D,), jnp.float32),
            pltpu.VMEM((D,), jnp.float32),
            pltpu.SemaphoreType.DMA,
            pltpu.SemaphoreType.DMA,
            pltpu.SemaphoreType.DMA,
            pltpu.SemaphoreType.DMA,
        ],
    )
    return f(dr_pad, de3, entity_table, ewt_pad)

# --- scband reference (transcript-rebuilt; emitter-appended) ---
"""Pipeline reference for scband-network-22127671509075 (READ-ONLY COPY).

The authoritative reference and input builder live on the scoring server;
editing this copy changes nothing except your own understanding.
"""

import jax, jax.numpy as jnp
import numpy as np

DIMENSION = 128
ENTITY_SIZE = 100000
REL_SIZE = 100
B, L = 4096, 200


def setup_inputs(seed: int = 0) -> dict:
    key = jax.random.key(seed)
    k1, k2, k3, k4 = jax.random.split(key, 4)
    data_r = jax.random.randint(k1, (B, L), 0, REL_SIZE * (REL_SIZE + 1) + 1)
    data_e = jax.random.randint(k2, (B, L), 0, ENTITY_SIZE + 1)
    entity_table = jax.random.normal(k3, (ENTITY_SIZE + 1, DIMENSION), dtype=jnp.float32)
    edge_weight_table = jax.random.normal(k4, (REL_SIZE * (REL_SIZE + 1) + 1, 1), dtype=jnp.float32)
    return {
        "data_r": data_r,
        "data_e": data_e,
        "entity_table": entity_table,
        "edge_weight_table": edge_weight_table,
    }


def reference(data_r, data_e, entity_table, edge_weight_table):
    # get_vh: weighted neighbor-entity aggregation
    bsz = data_e.shape[0]
    w = jnp.take(edge_weight_table, data_r, axis=0)        # [B, L, 1]
    w = w.reshape(bsz, -1)                                  # [B, L]
    w = jax.nn.softmax(w, axis=1)                           # softmax over neighbors
    w = w.reshape(bsz, -1, 1)                               # [B, L, 1]
    e = jnp.take(entity_table, data_e, axis=0)              # [B, L, D]
    Eh = e * w                                              # [B, L, D]
    Eh = jnp.transpose(Eh, (0, 2, 1))                       # [B, D, L]
    vh = jnp.sum(Eh, axis=2)                                # [B, D]
    return vh

if __name__ == "__main__":
    import jax
    _d = setup_inputs()
    print(jax.jit(kernel)(*tuple(_d.values())))

</pallas_src>

<mosaic_0001>
#map = affine_map<(d0, d1) -> (0, 0)>
#map1 = affine_map<(d0, d1) -> (0, 0, 0)>
#map2 = affine_map<(d0, d1) -> (0)>
module attributes {stable_mosaic.version = 14 : i64} {
  func.func @_sc_body(%arg0: i32, %arg1: i32, %arg2: memref<4096x208xi32, #tpu.memory_space<hbm>>, %arg3: memref<4096x2x100xi32, #tpu.memory_space<hbm>>, %arg4: memref<100001x128xf32, #tpu.memory_space<hbm>>, %arg5: memref<10104xf32, #tpu.memory_space<hbm>>, %arg6: memref<4096x128xf32, #tpu.memory_space<hbm>>, %arg7: memref<10104xf32, #tpu.memory_space<vmem>>, %arg8: memref<128x208xi32, #tpu.memory_space<vmem>>, %arg9: memref<128x2x100xi32, #tpu.memory_space<vmem>>, %arg10: memref<208xf32, #tpu.memory_space<vmem>>, %arg11: memref<200x128xf32, #tpu.memory_space<vmem>>, %arg12: memref<200x128xf32, #tpu.memory_space<vmem>>, %arg13: memref<128xf32, #tpu.memory_space<vmem>>, %arg14: memref<128xf32, #tpu.memory_space<vmem>>, %arg15: memref<!tpu.dma_semaphore, #tpu.memory_space<semaphore_mem>>, %arg16: memref<!tpu.dma_semaphore, #tpu.memory_space<semaphore_mem>>, %arg17: memref<!tpu.dma_semaphore, #tpu.memory_space<semaphore_mem>>, %arg18: memref<!tpu.dma_semaphore, #tpu.memory_space<semaphore_mem>>) attributes {dimension_semantics = [#tpu.dimension_semantics<core_parallel>, #tpu.dimension_semantics<subcore_parallel>], iteration_bounds = array<i64: 2, 16>, scalar_prefetch = 0 : i64, scratch_operands = 12 : i64, tpu.core_type = #tpu.core_type<sc_vector_subcore>, window_params = [{transform_indices = #map}, {transform_indices = #map1}, {transform_indices = #map}, {transform_indices = #map2}, {transform_indices = #map}]} {
    %mul3A = arith.constant 16 : i32
    %mul3A_0 = arith.muli %arg0, %mul3A : i32
    %add3A = arith.addi %mul3A_0, %arg1 : i32
    %mul3A_1 = arith.constant 128 : i32
    %mul3A_2 = arith.muli %add3A, %mul3A_1 : i32
    "tpu.region"() ({
      %run_scoped3A = tpu.sem_alloc : memref<!tpu.dma_semaphore, #tpu.memory_space<semaphore_mem>>
      %dma_start3A_69 = arith.constant 0 : i32
      %dma_start3A_70 = arith.constant 0 : i32
      %dma_start3A_71 = tpu.memref_slice %arg3[%mul3A_2, %dma_start3A_69, %dma_start3A_70] : memref<4096x2x100xi32, #tpu.memory_space<hbm>> -> memref<128x2x100xi32, #tpu.memory_space<hbm>>
      %dma_start3A_72 = arith.constant 0 : i32
      %dma_start3A_73 = arith.constant 0 : i32
      %dma_start3A_74 = tpu.memref_slice %arg3[%mul3A_2, %dma_start3A_72, %dma_start3A_73] : memref<4096x2x100xi32, #tpu.memory_space<hbm>> -> memref<128x2x100xi32, #tpu.memory_space<hbm>>
      tpu.enqueue_dma source(%dma_start3A_74 : memref<128x2x100xi32, #tpu.memory_space<hbm>>) target(%arg9 : memref<128x2x100xi32, #tpu.memory_space<vmem>>) target_semaphore(%run_scoped3A : memref<!tpu.dma_semaphore, #tpu.memory_space<semaphore_mem>>)
      %dma_wait3A_75 = arith.constant 0 : i32
      %dma_wait3A_76 = arith.constant 0 : i32
      %dma_wait3A_77 = tpu.memref_slice %arg3[%mul3A_2, %dma_wait3A_75, %dma_wait3A_76] : memref<4096x2x100xi32, #tpu.memory_space<hbm>> -> memref<128x2x100xi32, #tpu.memory_space<hbm>>
      %dma_wait3A_78 = arith.constant 0 : i32
      %dma_wait3A_79 = arith.constant 0 : i32
      %dma_wait3A_80 = tpu.memref_slice %arg3[%mul3A_2, %dma_wait3A_78, %dma_wait3A_79] : memref<4096x2x100xi32, #tpu.memory_space<hbm>> -> memref<128x2x100xi32, #tpu.memory_space<hbm>>
      tpu.wait_dma2 semaphore(%run_scoped3A : memref<!tpu.dma_semaphore, #tpu.memory_space<semaphore_mem>>) src(%dma_wait3A_80 : memref<128x2x100xi32, #tpu.memory_space<hbm>>) dst(%arg9 : memref<128x2x100xi32, #tpu.memory_space<vmem>>)
      tpu.yield
    }) : () -> ()
    %dma_start3A = arith.constant 0 : i32
    %dma_start3A_3 = arith.constant 0 : i32
    %dma_start3A_4 = arith.constant 0 : i32
    %dma_start3A_5 = arith.constant 0 : i32
    %dma_start3A_6 = tpu.memref_slice %arg11[%dma_start3A_4, %dma_start3A_5] : memref<200x128xf32, #tpu.memory_space<vmem>> -> memref<100x128xf32, #tpu.memory_space<vmem>>
    %dma_start3A_7 = arith.constant 0 : i32
    %dma_start3A_8 = tpu.memref_slice %arg9[%dma_start3A, %dma_start3A_3, %dma_start3A_7] : memref<128x2x100xi32, #tpu.memory_space<vmem>> -> memref<1x1x100xi32, #tpu.memory_space<vmem>>
    %dma_start3A_9 = tpu.memref_squeeze %dma_start3A_8 : memref<1x1x100xi32, #tpu.memory_space<vmem>> -> memref<100xi32, #tpu.memory_space<vmem>>
    %dma_start3A_10 = arith.constant 0 : i32
    %dma_start3A_11 = arith.constant 0 : i32
    %dma_start3A_12 = tpu.memref_slice %arg4[%dma_start3A_10, %dma_start3A_11] : memref<100001x128xf32, #tpu.memory_space<hbm>> -> memref<100001x128xf32, #tpu.memory_space<hbm>>
    tpu.enqueue_indirect_dma source(%dma_start3A_12 : memref<100001x128xf32, #tpu.memory_space<hbm>>) target(%dma_start3A_6 : memref<100x128xf32, #tpu.memory_space<vmem>>) offsets(%dma_start3A_9 : memref<100xi32, #tpu.memory_space<vmem>>) semaphore(%arg15 : memref<!tpu.dma_semaphore, #tpu.memory_space<semaphore_mem>>)
    %dma_start3A_13 = arith.constant 0 : i32
    %dma_start3A_14 = arith.constant 1 : i32
    %dma_start3A_15 = arith.constant 100 : i32
    %dma_start3A_16 = arith.constant 0 : i32
    %dma_start3A_17 = tpu.memref_slice %arg11[%dma_start3A_15, %dma_start3A_16] : memref<200x128xf32, #tpu.memory_space<vmem>> -> memref<100x128xf32, #tpu.memory_space<vmem>>
    %dma_start3A_18 = arith.constant 0 : i32
    %dma_start3A_19 = tpu.memref_slice %arg9[%dma_start3A_13, %dma_start3A_14, %dma_start3A_18] : memref<128x2x100xi32, #tpu.memory_space<vmem>> -> memref<1x1x100xi32, #tpu.memory_space<vmem>>
    %dma_start3A_20 = tpu.memref_squeeze %dma_start3A_19 : memref<1x1x100xi32, #tpu.memory_space<vmem>> -> memref<100xi32, #tpu.memory_space<vmem>>
    %dma_start3A_21 = arith.constant 0 : i32
    %dma_start3A_22 = arith.constant 0 : i32
    %dma_start3A_23 = tpu.memref_slice %arg4[%dma_start3A_21, %dma_start3A_22] : memref<100001x128xf32, #tpu.memory_space<hbm>> -> memref<100001x128xf32, #tpu.memory_space<hbm>>
    tpu.enqueue_indirect_dma source(%dma_start3A_23 : memref<100001x128xf32, #tpu.memory_space<hbm>>) target(%dma_start3A_17 : memref<100x128xf32, #tpu.memory_space<vmem>>) offsets(%dma_start3A_20 : memref<100xi32, #tpu.memory_space<vmem>>) semaphore(%arg15 : memref<!tpu.dma_semaphore, #tpu.memory_space<semaphore_mem>>)
    %dma_start3A_24 = arith.constant 1 : i32
    %dma_start3A_25 = arith.constant 0 : i32
    %dma_start3A_26 = arith.constant 0 : i32
    %dma_start3A_27 = arith.constant 0 : i32
    %dma_start3A_28 = tpu.memref_slice %arg12[%dma_start3A_26, %dma_start3A_27] : memref<200x128xf32, #tpu.memory_space<vmem>> -> memref<100x128xf32, #tpu.memory_space<vmem>>
    %dma_start3A_29 = arith.constant 0 : i32
    %dma_start3A_30 = tpu.memref_slice %arg9[%dma_start3A_24, %dma_start3A_25, %dma_start3A_29] : memref<128x2x100xi32, #tpu.memory_space<vmem>> -> memref<1x1x100xi32, #tpu.memory_space<vmem>>
    %dma_start3A_31 = tpu.memref_squeeze %dma_start3A_30 : memref<1x1x100xi32, #tpu.memory_space<vmem>> -> memref<100xi32, #tpu.memory_space<vmem>>
    %dma_start3A_32 = arith.constant 0 : i32
    %dma_start3A_33 = arith.constant 0 : i32
    %dma_start3A_34 = tpu.memref_slice %arg4[%dma_start3A_32, %dma_start3A_33] : memref<100001x128xf32, #tpu.memory_space<hbm>> -> memref<100001x128xf32, #tpu.memory_space<hbm>>
    tpu.enqueue_indirect_dma source(%dma_start3A_34 : memref<100001x128xf32, #tpu.memory_space<hbm>>) target(%dma_start3A_28 : memref<100x128xf32, #tpu.memory_space<vmem>>) offsets(%dma_start3A_31 : memref<100xi32, #tpu.memory_space<vmem>>) semaphore(%arg16 : memref<!tpu.dma_semaphore, #tpu.memory_space<semaphore_mem>>)
    %dma_start3A_35 = arith.constant 1 : i32
    %dma_start3A_36 = arith.constant 1 : i32
    %dma_start3A_37 = arith.constant 100 : i32
    %dma_start3A_38 = arith.constant 0 : i32
    %dma_start3A_39 = tpu.memref_slice %arg12[%dma_start3A_37, %dma_start3A_38] : memref<200x128xf32, #tpu.memory_space<vmem>> -> memref<100x128xf32, #tpu.memory_space<vmem>>
    %dma_start3A_40 = arith.constant 0 : i32
    %dma_start3A_41 = tpu.memref_slice %arg9[%dma_start3A_35, %dma_start3A_36, %dma_start3A_40] : memref<128x2x100xi32, #tpu.memory_space<vmem>> -> memref<1x1x100xi32, #tpu.memory_space<vmem>>
    %dma_start3A_42 = tpu.memref_squeeze %dma_start3A_41 : memref<1x1x100xi32, #tpu.memory_space<vmem>> -> memref<100xi32, #tpu.memory_space<vmem>>
    %dma_start3A_43 = arith.constant 0 : i32
    %dma_start3A_44 = arith.constant 0 : i32
    %dma_start3A_45 = tpu.memref_slice %arg4[%dma_start3A_43, %dma_start3A_44] : memref<100001x128xf32, #tpu.memory_space<hbm>> -> memref<100001x128xf32, #tpu.memory_space<hbm>>
    tpu.enqueue_indirect_dma source(%dma_start3A_45 : memref<100001x128xf32, #tpu.memory_space<hbm>>) target(%dma_start3A_39 : memref<100x128xf32, #tpu.memory_space<vmem>>) offsets(%dma_start3A_42 : memref<100xi32, #tpu.memory_space<vmem>>) semaphore(%arg16 : memref<!tpu.dma_semaphore, #tpu.memory_space<semaphore_mem>>)
    "tpu.region"() ({
      %run_scoped3A = tpu.sem_alloc : memref<!tpu.dma_semaphore, #tpu.memory_space<semaphore_mem>>
      %dma_start3A_69 = arith.constant 0 : i32
      %dma_start3A_70 = tpu.memref_slice %arg2[%mul3A_2, %dma_start3A_69] : memref<4096x208xi32, #tpu.memory_space<hbm>> -> memref<128x208xi32, #tpu.memory_space<hbm>>
      %dma_start3A_71 = arith.constant 0 : i32
      %dma_start3A_72 = tpu.memref_slice %arg2[%mul3A_2, %dma_start3A_71] : memref<4096x208xi32, #tpu.memory_space<hbm>> -> memref<128x208xi32, #tpu.memory_space<hbm>>
      tpu.enqueue_dma source(%dma_start3A_72 : memref<128x208xi32, #tpu.memory_space<hbm>>) target(%arg8 : memref<128x208xi32, #tpu.memory_space<vmem>>) target_semaphore(%run_scoped3A : memref<!tpu.dma_semaphore, #tpu.memory_space<semaphore_mem>>)
      %dma_wait3A_73 = arith.constant 0 : i32
      %dma_wait3A_74 = tpu.memref_slice %arg2[%mul3A_2, %dma_wait3A_73] : memref<4096x208xi32, #tpu.memory_space<hbm>> -> memref<128x208xi32, #tpu.memory_space<hbm>>
      %dma_wait3A_75 = arith.constant 0 : i32
      %dma_wait3A_76 = tpu.memref_slice %arg2[%mul3A_2, %dma_wait3A_75] : memref<4096x208xi32, #tpu.memory_space<hbm>> -> memref<128x208xi32, #tpu.memory_space<hbm>>
      tpu.wait_dma2 semaphore(%run_scoped3A : memref<!tpu.dma_semaphore, #tpu.memory_space<semaphore_mem>>) src(%dma_wait3A_76 : memref<128x208xi32, #tpu.memory_space<hbm>>) dst(%arg8 : memref<128x208xi32, #tpu.memory_space<vmem>>)
      tpu.yield
    }) : () -> ()
    "tpu.region"() ({
      %run_scoped3A = tpu.sem_alloc : memref<!tpu.dma_semaphore, #tpu.memory_space<semaphore_mem>>
      tpu.enqueue_dma source(%arg5 : memref<10104xf32, #tpu.memory_space<hbm>>) target(%arg7 : memref<10104xf32, #tpu.memory_space<vmem>>) target_semaphore(%run_scoped3A : memref<!tpu.dma_semaphore, #tpu.memory_space<semaphore_mem>>)
      tpu.wait_dma2 semaphore(%run_scoped3A : memref<!tpu.dma_semaphore, #tpu.memory_space<semaphore_mem>>) src(%arg5 : memref<10104xf32, #tpu.memory_space<hbm>>) dst(%arg7 : memref<10104xf32, #tpu.memory_space<vmem>>)
      tpu.yield
    }) : () -> ()
    %scan3A = arith.constant 0 : i32
    %scan3A_46 = arith.constant 0 : i32
    %scan3A_47 = arith.constant 64 : i32
    %scan3A_48 = arith.addi %scan3A_46, %scan3A_47 : i32
    %scan3A_49 = arith.constant 1 : i32
    scf.for %scan3A_69 = %scan3A_46 to %scan3A_48 step %scan3A_49  : i32 {
      %mul3A_70 = arith.constant 2 : i32
      %mul3A_71 = arith.muli %mul3A_70, %scan3A_69 : i32
      %iota3A = tpu.iota {dimensions = array<i32: 0>} : vector<16xi32>
      %broadcast_in_dim3A = arith.constant -3.000000e+38 : f32
      %broadcast_in_dim3A_72 = vector.broadcast %broadcast_in_dim3A : f32 to vector<16xf32>
      %get3A = arith.index_cast %mul3A_71 : i32 to index
      %get3A_73 = arith.constant 0 : index
      %get3A_74 = tpu.vector_load %arg8[%get3A, %get3A_73] {strides = array<i32>} : memref<128x208xi32, #tpu.memory_space<vmem>>, vector<16xi32>,
      %gather3A = tpu.vector_load_idx %arg7[%get3A_74] : memref<10104xf32, #tpu.memory_space<vmem>>[vector<16xi32>], vector<16xf32>,
      %max3A = arith.maximumf %broadcast_in_dim3A_72, %gather3A : vector<16xf32>
      %swap3A = arith.constant 0 : index
      %swap3A_75 = tpu.vector_load %arg10[%swap3A] {strides = array<i32>} : memref<208xf32, #tpu.memory_space<vmem>>, vector<16xf32>,
      tpu.vector_store %arg10[%swap3A], %gather3A {strides = array<i32>} : memref<208xf32, #tpu.memory_space<vmem>>, vector<16xf32>,
      %get3A_76 = arith.index_cast %mul3A_71 : i32 to index
      %get3A_77 = arith.constant 16 : index
      %get3A_78 = tpu.vector_load %arg8[%get3A_76, %get3A_77] {strides = array<i32>} : memref<128x208xi32, #tpu.memory_space<vmem>>, vector<16xi32>,
      %gather3A_79 = tpu.vector_load_idx %arg7[%get3A_78] : memref<10104xf32, #tpu.memory_space<vmem>>[vector<16xi32>], vector<16xf32>,
      %max3A_80 = arith.maximumf %max3A, %gather3A_79 : vector<16xf32>
      %swap3A_81 = arith.constant 16 : index
      %swap3A_82 = tpu.vector_load %arg10[%swap3A_81] {strides = array<i32>} : memref<208xf32, #tpu.memory_space<vmem>>, vector<16xf32>,
      tpu.vector_store %arg10[%swap3A_81], %gather3A_79 {strides = array<i32>} : memref<208xf32, #tpu.memory_space<vmem>>, vector<16xf32>,
      %get3A_83 = arith.index_cast %mul3A_71 : i32 to index
      %get3A_84 = arith.constant 32 : index
      %get3A_85 = tpu.vector_load %arg8[%get3A_83, %get3A_84] {strides = array<i32>} : memref<128x208xi32, #tpu.memory_space<vmem>>, vector<16xi32>,
      %gather3A_86 = tpu.vector_load_idx %arg7[%get3A_85] : memref<10104xf32, #tpu.memory_space<vmem>>[vector<16xi32>], vector<16xf32>,
      %max3A_87 = arith.maximumf %max3A_80, %gather3A_86 : vector<16xf32>
      %swap3A_88 = arith.constant 32 : index
      %swap3A_89 = tpu.vector_load %arg10[%swap3A_88] {strides = array<i32>} : memref<208xf32, #tpu.memory_space<vmem>>, vector<16xf32>,
      tpu.vector_store %arg10[%swap3A_88], %gather3A_86 {strides = array<i32>} : memref<208xf32, #tpu.memory_space<vmem>>, vector<16xf32>,
      %get3A_90 = arith.index_cast %mul3A_71 : i32 to index
      %get3A_91 = arith.constant 48 : index
      %get3A_92 = tpu.vector_load %arg8[%get3A_90, %get3A_91] {strides = array<i32>} : memref<128x208xi32, #tpu.memory_space<vmem>>, vector<16xi32>,
      %gather3A_93 = tpu.vector_load_idx %arg7[%get3A_92] : memref<10104xf32, #tpu.memory_space<vmem>>[vector<16xi32>], vector<16xf32>,
      %max3A_94 = arith.maximumf %max3A_87, %gather3A_93 : vector<16xf32>
      %swap3A_95 = arith.constant 48 : index
      %swap3A_96 = tpu.vector_load %arg10[%swap3A_95] {strides = array<i32>} : memref<208xf32, #tpu.memory_space<vmem>>, vector<16xf32>,
      tpu.vector_store %arg10[%swap3A_95], %gather3A_93 {strides = array<i32>} : memref<208xf32, #tpu.memory_space<vmem>>, vector<16xf32>,
      %get3A_97 = arith.index_cast %mul3A_71 : i32 to index
      %get3A_98 = arith.constant 64 : index
      %get3A_99 = tpu.vector_load %arg8[%get3A_97, %get3A_98] {strides = array<i32>} : memref<128x208xi32, #tpu.memory_space<vmem>>, vector<16xi32>,
      %gather3A_100 = tpu.vector_load_idx %arg7[%get3A_99] : memref<10104xf32, #tpu.memory_space<vmem>>[vector<16xi32>], vector<16xf32>,
      %max3A_101 = arith.maximumf %max3A_94, %gather3A_100 : vector<16xf32>
      %swap3A_102 = arith.constant 64 : index
      %swap3A_103 = tpu.vector_load %arg10[%swap3A_102] {strides = array<i32>} : memref<208xf32, #tpu.memory_space<vmem>>, vector<16xf32>,
      tpu.vector_store %arg10[%swap3A_102], %gather3A_100 {strides = array<i32>} : memref<208xf32, #tpu.memory_space<vmem>>, vector<16xf32>,
      %get3A_104 = arith.index_cast %mul3A_71 : i32 to index
      %get3A_105 = arith.constant 80 : index
      %get3A_106 = tpu.vector_load %arg8[%get3A_104, %get3A_105] {strides = array<i32>} : memref<128x208xi32, #tpu.memory_space<vmem>>, vector<16xi32>,
      %gather3A_107 = tpu.vector_load_idx %arg7[%get3A_106] : memref<10104xf32, #tpu.memory_space<vmem>>[vector<16xi32>], vector<16xf32>,
      %max3A_108 = arith.maximumf %max3A_101, %gather3A_107 : vector<16xf32>
      %swap3A_109 = arith.constant 80 : index
      %swap3A_110 = tpu.vector_load %arg10[%swap3A_109] {strides = array<i32>} : memref<208xf32, #tpu.memory_space<vmem>>, vector<16xf32>,
      tpu.vector_store %arg10[%swap3A_109], %gather3A_107 {strides = array<i32>} : memref<208xf32, #tpu.memory_space<vmem>>, vector<16xf32>,
      %get3A_111 = arith.index_cast %mul3A_71 : i32 to index
      %get3A_112 = arith.constant 96 : index
      %get3A_113 = tpu.vector_load %arg8[%get3A_111, %get3A_112] {strides = array<i32>} : memref<128x208xi32, #tpu.memory_space<vmem>>, vector<16xi32>,
      %gather3A_114 = tpu.vector_load_idx %arg7[%get3A_113] : memref<10104xf32, #tpu.memory_space<vmem>>[vector<16xi32>], vector<16xf32>,
      %max3A_115 = arith.maximumf %max3A_108, %gather3A_114 : vector<16xf32>
      %swap3A_116 = arith.constant 96 : index
      %swap3A_117 = tpu.vector_load %arg10[%swap3A_116] {strides = array<i32>} : memref<208xf32, #tpu.memory_space<vmem>>, vector<16xf32>,
      tpu.vector_store %arg10[%swap3A_116], %gather3A_114 {strides = array<i32>} : memref<208xf32, #tpu.memory_space<vmem>>, vector<16xf32>,
      %get3A_118 = arith.index_cast %mul3A_71 : i32 to index
      %get3A_119 = arith.constant 112 : index
      %get3A_120 = tpu.vector_load %arg8[%get3A_118, %get3A_119] {strides = array<i32>} : memref<128x208xi32, #tpu.memory_space<vmem>>, vector<16xi32>,
      %gather3A_121 = tpu.vector_load_idx %arg7[%get3A_120] : memref<10104xf32, #tpu.memory_space<vmem>>[vector<16xi32>], vector<16xf32>,
      %max3A_122 = arith.maximumf %max3A_115, %gather3A_121 : vector<16xf32>
      %swap3A_123 = arith.constant 112 : index
      %swap3A_124 = tpu.vector_load %arg10[%swap3A_123] {strides = array<i32>} : memref<208xf32, #tpu.memory_space<vmem>>, vector<16xf32>,
      tpu.vector_store %arg10[%swap3A_123], %gather3A_121 {strides = array<i32>} : memref<208xf32, #tpu.memory_space<vmem>>, vector<16xf32>,
      %get3A_125 = arith.index_cast %mul3A_71 : i32 to index
      %get3A_126 = arith.constant 128 : index
      %get3A_127 = tpu.vector_load %arg8[%get3A_125, %get3A_126] {strides = array<i32>} : memref<128x208xi32, #tpu.memory_space<vmem>>, vector<16xi32>,
      %gather3A_128 = tpu.vector_load_idx %arg7[%get3A_127] : memref<10104xf32, #tpu.memory_space<vmem>>[vector<16xi32>], vector<16xf32>,
      %max3A_129 = arith.maximumf %max3A_122, %gather3A_128 : vector<16xf32>
      %swap3A_130 = arith.constant 128 : index
      %swap3A_131 = tpu.vector_load %arg10[%swap3A_130] {strides = array<i32>} : memref<208xf32, #tpu.memory_space<vmem>>, vector<16xf32>,
      tpu.vector_store %arg10[%swap3A_130], %gather3A_128 {strides = array<i32>} : memref<208xf32, #tpu.memory_space<vmem>>, vector<16xf32>,
      %get3A_132 = arith.index_cast %mul3A_71 : i32 to index
      %get3A_133 = arith.constant 144 : index
      %get3A_134 = tpu.vector_load %arg8[%get3A_132, %get3A_133] {strides = array<i32>} : memref<128x208xi32, #tpu.memory_space<vmem>>, vector<16xi32>,
      %gather3A_135 = tpu.vector_load_idx %arg7[%get3A_134] : memref<10104xf32, #tpu.memory_space<vmem>>[vector<16xi32>], vector<16xf32>,
      %max3A_136 = arith.maximumf %max3A_129, %gather3A_135 : vector<16xf32>
      %swap3A_137 = arith.constant 144 : index
      %swap3A_138 = tpu.vector_load %arg10[%swap3A_137] {strides = array<i32>} : memref<208xf32, #tpu.memory_space<vmem>>, vector<16xf32>,
      tpu.vector_store %arg10[%swap3A_137], %gather3A_135 {strides = array<i32>} : memref<208xf32, #tpu.memory_space<vmem>>, vector<16xf32>,
      %get3A_139 = arith.index_cast %mul3A_71 : i32 to index
      %get3A_140 = arith.constant 160 : index
      %get3A_141 = tpu.vector_load %arg8[%get3A_139, %get3A_140] {strides = array<i32>} : memref<128x208xi32, #tpu.memory_space<vmem>>, vector<16xi32>,
      %gather3A_142 = tpu.vector_load_idx %arg7[%get3A_141] : memref<10104xf32, #tpu.memory_space<vmem>>[vector<16xi32>], vector<16xf32>,
      %max3A_143 = arith.maximumf %max3A_136, %gather3A_142 : vector<16xf32>
      %swap3A_144 = arith.constant 160 : index
      %swap3A_145 = tpu.vector_load %arg10[%swap3A_144] {strides = array<i32>} : memref<208xf32, #tpu.memory_space<vmem>>, vector<16xf32>,
      tpu.vector_store %arg10[%swap3A_144], %gather3A_142 {strides = array<i32>} : memref<208xf32, #tpu.memory_space<vmem>>, vector<16xf32>,
      %get3A_146 = arith.index_cast %mul3A_71 : i32 to index
      %get3A_147 = arith.constant 176 : index
      %get3A_148 = tpu.vector_load %arg8[%get3A_146, %get3A_147] {strides = array<i32>} : memref<128x208xi32, #tpu.memory_space<vmem>>, vector<16xi32>,
      %gather3A_149 = tpu.vector_load_idx %arg7[%get3A_148] : memref<10104xf32, #tpu.memory_space<vmem>>[vector<16xi32>], vector<16xf32>,
      %max3A_150 = arith.maximumf %max3A_143, %gather3A_149 : vector<16xf32>
      %swap3A_151 = arith.constant 176 : index
      %swap3A_152 = tpu.vector_load %arg10[%swap3A_151] {strides = array<i32>} : memref<208xf32, #tpu.memory_space<vmem>>, vector<16xf32>,
      tpu.vector_store %arg10[%swap3A_151], %gather3A_149 {strides = array<i32>} : memref<208xf32, #tpu.memory_space<vmem>>, vector<16xf32>,
      %get3A_153 = arith.index_cast %mul3A_71 : i32 to index
      %get3A_154 = arith.constant 192 : index
      %get3A_155 = tpu.vector_load %arg8[%get3A_153, %get3A_154] {strides = array<i32>} : memref<128x208xi32, #tpu.memory_space<vmem>>, vector<16xi32>,
      %gather3A_156 = tpu.vector_load_idx %arg7[%get3A_155] : memref<10104xf32, #tpu.memory_space<vmem>>[vector<16xi32>], vector<16xf32>,
      %lt3A = arith.constant 8 : i32
      %lt3A_157 = vector.broadcast %lt3A : i32 to vector<16xi32>
      %lt3A_158 = arith.cmpi slt, %iota3A, %lt3A_157 : vector<16xi32>
      %jit3A = arith.constant -3.000000e+38 : f32
      %broadcast_in_dim3A_159 = vector.broadcast %jit3A : f32 to vector<16xf32>
      %select_n3A = arith.select %lt3A_158, %gather3A_156, %broadcast_in_dim3A_159 : vector<16xi1>, vector<16xf32>
      %max3A_160 = arith.maximumf %max3A_150, %select_n3A : vector<16xf32>
      %swap3A_161 = arith.constant 192 : index
      %swap3A_162 = tpu.vector_load %arg10[%swap3A_161] {strides = array<i32>} : memref<208xf32, #tpu.memory_space<vmem>>, vector<16xf32>,
      tpu.vector_store %arg10[%swap3A_161], %select_n3A {strides = array<i32>} : memref<208xf32, #tpu.memory_space<vmem>>, vector<16xf32>,
      %reduce_max3A = arith.constant true
      %reduce_max3A_163 = vector.broadcast %reduce_max3A : i1 to vector<16xi1>
      %reduce_max3A_164 = tpu.scan <max>, %max3A_160 masked %reduce_max3A_163 : vector<16xf32>, vector<16xi1> -> vector<16xf32>
      %reduce_max3A_165 = vector.extract %reduce_max3A_164[15] : f32 from vector<16xf32>
      %broadcast_in_dim3A_166 = arith.constant 0.000000e+00 : f32
      %broadcast_in_dim3A_167 = vector.broadcast %broadcast_in_dim3A_166 : f32 to vector<16xf32>
      %get3A_168 = arith.constant 0 : index
      %get3A_169 = tpu.vector_load %arg10[%get3A_168] {strides = array<i32>} : memref<208xf32, #tpu.memory_space<vmem>>, vector<16xf32>,
      %sub3A_170 = vector.broadcast %reduce_max3A_165 : f32 to vector<16xf32>
      %sub3A_171 = arith.subf %get3A_169, %sub3A_170 : vector<16xf32>
      %exp3A = math.exp %sub3A_171 : vector<16xf32>
      %add3A_172 = arith.addf %broadcast_in_dim3A_167, %exp3A : vector<16xf32>
      %swap3A_173 = arith.constant 0 : index
      %swap3A_174 = tpu.vector_load %arg10[%swap3A_173] {strides = array<i32>} : memref<208xf32, #tpu.memory_space<vmem>>, vector<16xf32>,
      tpu.vector_store %arg10[%swap3A_173], %exp3A {strides = array<i32>} : memref<208xf32, #tpu.memory_space<vmem>>, vector<16xf32>,
      %get3A_175 = arith.constant 16 : index
      %get3A_176 = tpu.vector_load %arg10[%get3A_175] {strides = array<i32>} : memref<208xf32, #tpu.memory_space<vmem>>, vector<16xf32>,
      %sub3A_177 = vector.broadcast %reduce_max3A_165 : f32 to vector<16xf32>
      %sub3A_178 = arith.subf %get3A_176, %sub3A_177 : vector<16xf32>
      %exp3A_179 = math.exp %sub3A_178 : vector<16xf32>
      %add3A_180 = arith.addf %add3A_172, %exp3A_179 : vector<16xf32>
      %swap3A_181 = arith.constant 16 : index
      %swap3A_182 = tpu.vector_load %arg10[%swap3A_181] {strides = array<i32>} : memref<208xf32, #tpu.memory_space<vmem>>, vector<16xf32>,
      tpu.vector_store %arg10[%swap3A_181], %exp3A_179 {strides = array<i32>} : memref<208xf32, #tpu.memory_space<vmem>>, vector<16xf32>,
      %get3A_183 = arith.constant 32 : index
      %get3A_184 = tpu.vector_load %arg10[%get3A_183] {strides = array<i32>} : memref<208xf32, #tpu.memory_space<vmem>>, vector<16xf32>,
      %sub3A_185 = vector.broadcast %reduce_max3A_165 : f32 to vector<16xf32>
      %sub3A_186 = arith.subf %get3A_184, %sub3A_185 : vector<16xf32>
      %exp3A_187 = math.exp %sub3A_186 : vector<16xf32>
      %add3A_188 = arith.addf %add3A_180, %exp3A_187 : vector<16xf32>
      %swap3A_189 = arith.constant 32 : index
      %swap3A_190 = tpu.vector_load %arg10[%swap3A_189] {strides = array<i32>} : memref<208xf32, #tpu.memory_space<vmem>>, vector<16xf32>,
      tpu.vector_store %arg10[%swap3A_189], %exp3A_187 {strides = array<i32>} : memref<208xf32, #tpu.memory_space<vmem>>, vector<16xf32>,
      %get3A_191 = arith.constant 48 : index
      %get3A_192 = tpu.vector_load %arg10[%get3A_191] {strides = array<i32>} : memref<208xf32, #tpu.memory_space<vmem>>, vector<16xf32>,
      %sub3A_193 = vector.broadcast %reduce_max3A_165 : f32 to vector<16xf32>
      %sub3A_194 = arith.subf %get3A_192, %sub3A_193 : vector<16xf32>
      %exp3A_195 = math.exp %sub3A_194 : vector<16xf32>
      %add3A_196 = arith.addf %add3A_188, %exp3A_195 : vector<16xf32>
      %swap3A_197 = arith.constant 48 : index
      %swap3A_198 = tpu.vector_load %arg10[%swap3A_197] {strides = array<i32>} : memref<208xf32, #tpu.memory_space<vmem>>, vector<16xf32>,
      tpu.vector_store %arg10[%swap3A_197], %exp3A_195 {strides = array<i32>} : memref<208xf32, #tpu.memory_space<vmem>>, vector<16xf32>,
      %get3A_199 = arith.constant 64 : index
      %get3A_200 = tpu.vector_load %arg10[%get3A_199] {strides = array<i32>} : memref<208xf32, #tpu.memory_space<vmem>>, vector<16xf32>,
      %sub3A_201 = vector.broadcast %reduce_max3A_165 : f32 to vector<16xf32>
      %sub3A_202 = arith.subf %get3A_200, %sub3A_201 : vector<16xf32>
      %exp3A_203 = math.exp %sub3A_202 : vector<16xf32>
      %add3A_204 = arith.addf %add3A_196, %exp3A_203 : vector<16xf32>
      %swap3A_205 = arith.constant 64 : index
      %swap3A_206 = tpu.vector_load %arg10[%swap3A_205] {strides = array<i32>} : memref<208xf32, #tpu.memory_space<vmem>>, vector<16xf32>,
      tpu.vector_store %arg10[%swap3A_205], %exp3A_203 {strides = array<i32>} : memref<208xf32, #tpu.memory_space<vmem>>, vector<16xf32>,
      %get3A_207 = arith.constant 80 : index
      %get3A_208 = tpu.vector_load %arg10[%get3A_207] {strides = array<i32>} : memref<208xf32, #tpu.memory_space<vmem>>, vector<16xf32>,
      %sub3A_209 = vector.broadcast %reduce_max3A_165 : f32 to vector<16xf32>
      %sub3A_210 = arith.subf %get3A_208, %sub3A_209 : vector<16xf32>
      %exp3A_211 = math.exp %sub3A_210 : vector<16xf32>
      %add3A_212 = arith.addf %add3A_204, %exp3A_211 : vector<16xf32>
      %swap3A_213 = arith.constant 80 : index
      %swap3A_214 = tpu.vector_load %arg10[%swap3A_213] {strides = array<i32>} : memref<208xf32, #tpu.memory_space<vmem>>, vector<16xf32>,
      tpu.vector_store %arg10[%swap3A_213], %exp3A_211 {strides = array<i32>} : memref<208xf32, #tpu.memory_space<vmem>>, vector<16xf32>,
      %get3A_215 = arith.constant 96 : index
      %get3A_216 = tpu.vector_load %arg10[%get3A_215] {strides = array<i32>} : memref<208xf32, #tpu.memory_space<vmem>>, vector<16xf32>,
      %sub3A_217 = vector.broadcast %reduce_max3A_165 : f32 to vector<16xf32>
      %sub3A_218 = arith.subf %get3A_216, %sub3A_217 : vector<16xf32>
      %exp3A_219 = math.exp %sub3A_218 : vector<16xf32>
      %add3A_220 = arith.addf %add3A_212, %exp3A_219 : vector<16xf32>
      %swap3A_221 = arith.constant 96 : index
      %swap3A_222 = tpu.vector_load %arg10[%swap3A_221] {strides = array<i32>} : memref<208xf32, #tpu.memory_space<vmem>>, vector<16xf32>,
      tpu.vector_store %arg10[%swap3A_221], %exp3A_219 {strides = array<i32>} : memref<208xf32, #tpu.memory_space<vmem>>, vector<16xf32>,
      %get3A_223 = arith.constant 112 : index
      %get3A_224 = tpu.vector_load %arg10[%get3A_223] {strides = array<i32>} : memref<208xf32, #tpu.memory_space<vmem>>, vector<16xf32>,
      %sub3A_225 = vector.broadcast %reduce_max3A_165 : f32 to vector<16xf32>
      %sub3A_226 = arith.subf %get3A_224, %sub3A_225 : vector<16xf32>
      %exp3A_227 = math.exp %sub3A_226 : vector<16xf32>
      %add3A_228 = arith.addf %add3A_220, %exp3A_227 : vector<16xf32>
      %swap3A_229 = arith.constant 112 : index
      %swap3A_230 = tpu.vector_load %arg10[%swap3A_229] {strides = array<i32>} : memref<208xf32, #tpu.memory_space<vmem>>, vector<16xf32>,
      tpu.vector_store %arg10[%swap3A_229], %exp3A_227 {strides = array<i32>} : memref<208xf32, #tpu.memory_space<vmem>>, vector<16xf32>,
      %get3A_231 = arith.constant 128 : index
      %get3A_232 = tpu.vector_load %arg10[%get3A_231] {strides = array<i32>} : memref<208xf32, #tpu.memory_space<vmem>>, vector<16xf32>,
      %sub3A_233 = vector.broadcast %reduce_max3A_165 : f32 to vector<16xf32>
      %sub3A_234 = arith.subf %get3A_232, %sub3A_233 : vector<16xf32>
      %exp3A_235 = math.exp %sub3A_234 : vector<16xf32>
      %add3A_236 = arith.addf %add3A_228, %exp3A_235 : vector<16xf32>
      %swap3A_237 = arith.constant 128 : index
      %swap3A_238 = tpu.vector_load %arg10[%swap3A_237] {strides = array<i32>} : memref<208xf32, #tpu.memory_space<vmem>>, vector<16xf32>,
      tpu.vector_store %arg10[%swap3A_237], %exp3A_235 {strides = array<i32>} : memref<208xf32, #tpu.memory_space<vmem>>, vector<16xf32>,
      %get3A_239 = arith.constant 144 : index
      %get3A_240 = tpu.vector_load %arg10[%get3A_239] {strides = array<i32>} : memref<208xf32, #tpu.memory_space<vmem>>, vector<16xf32>,
      %sub3A_241 = vector.broadcast %reduce_max3A_165 : f32 to vector<16xf32>
      %sub3A_242 = arith.subf %get3A_240, %sub3A_241 : vector<16xf32>
      %exp3A_243 = math.exp %sub3A_242 : vector<16xf32>
      %add3A_244 = arith.addf %add3A_236, %exp3A_243 : vector<16xf32>
      %swap3A_245 = arith.constant 144 : index
      %swap3A_246 = tpu.vector_load %arg10[%swap3A_245] {strides = array<i32>} : memref<208xf32, #tpu.memory_space<vmem>>, vector<16xf32>,
      tpu.vector_store %arg10[%swap3A_245], %exp3A_243 {strides = array<i32>} : memref<208xf32, #tpu.memory_space<vmem>>, vector<16xf32>,
      %get3A_247 = arith.constant 160 : index
      %get3A_248 = tpu.vector_load %arg10[%get3A_247] {strides = array<i32>} : memref<208xf32, #tpu.memory_space<vmem>>, vector<16xf32>,
      %sub3A_249 = vector.broadcast %reduce_max3A_165 : f32 to vector<16xf32>
      %sub3A_250 = arith.subf %get3A_248, %sub3A_249 : vector<16xf32>
      %exp3A_251 = math.exp %sub3A_250 : vector<16xf32>
      %add3A_252 = arith.addf %add3A_244, %exp3A_251 : vector<16xf32>
      %swap3A_253 = arith.constant 160 : index
      %swap3A_254 = tpu.vector_load %arg10[%swap3A_253] {strides = array<i32>} : memref<208xf32, #tpu.memory_space<vmem>>, vector<16xf32>,
      tpu.vector_store %arg10[%swap3A_253], %exp3A_251 {strides = array<i32>} : memref<208xf32, #tpu.memory_space<vmem>>, vector<16xf32>,
      %get3A_255 = arith.constant 176 : index
      %get3A_256 = tpu.vector_load %arg10[%get3A_255] {strides = array<i32>} : memref<208xf32, #tpu.memory_space<vmem>>, vector<16xf32>,
      %sub3A_257 = vector.broadcast %reduce_max3A_165 : f32 to vector<16xf32>
      %sub3A_258 = arith.subf %get3A_256, %sub3A_257 : vector<16xf32>
      %exp3A_259 = math.exp %sub3A_258 : vector<16xf32>
      %add3A_260 = arith.addf %add3A_252, %exp3A_259 : vector<16xf32>
      %swap3A_261 = arith.constant 176 : index
      %swap3A_262 = tpu.vector_load %arg10[%swap3A_261] {strides = array<i32>} : memref<208xf32, #tpu.memory_space<vmem>>, vector<16xf32>,
      tpu.vector_store %arg10[%swap3A_261], %exp3A_259 {strides = array<i32>} : memref<208xf32, #tpu.memory_space<vmem>>, vector<16xf32>,
      %get3A_263 = arith.constant 192 : index
      %get3A_264 = tpu.vector_load %arg10[%get3A_263] {strides = array<i32>} : memref<208xf32, #tpu.memory_space<vmem>>, vector<16xf32>,
      %sub3A_265 = vector.broadcast %reduce_max3A_165 : f32 to vector<16xf32>
      %sub3A_266 = arith.subf %get3A_264, %sub3A_265 : vector<16xf32>
      %exp3A_267 = math.exp %sub3A_266 : vector<16xf32>
      %add3A_268 = arith.addf %add3A_260, %exp3A_267 : vector<16xf32>
      %swap3A_269 = arith.constant 192 : index
      %swap3A_270 = tpu.vector_load %arg10[%swap3A_269] {strides = array<i32>} : memref<208xf32, #tpu.memory_space<vmem>>, vector<16xf32>,
      tpu.vector_store %arg10[%swap3A_269], %exp3A_267 {strides = array<i32>} : memref<208xf32, #tpu.memory_space<vmem>>, vector<16xf32>,
      %reduce_sum3A = arith.constant true
      %reduce_sum3A_271 = vector.broadcast %reduce_sum3A : i1 to vector<16xi1>
      %reduce_sum3A_272 = tpu.scan <sum>, %add3A_268 masked %reduce_sum3A_271 : vector<16xf32>, vector<16xi1> -> vector<16xf32>
      %reduce_sum3A_273 = vector.extract %reduce_sum3A_272[15] : f32 from vector<16xf32>
      %dma_wait3A_274 = arith.constant 0 : i32
      %dma_wait3A_275 = arith.constant 0 : i32
      %dma_wait3A_276 = arith.constant 0 : i32
      %dma_wait3A_277 = tpu.memref_slice %arg11[%dma_wait3A_275, %dma_wait3A_276] : memref<200x128xf32, #tpu.memory_space<vmem>> -> memref<100x128xf32, #tpu.memory_space<vmem>>
      %dma_wait3A_278 = arith.constant 0 : i32
      %dma_wait3A_279 = tpu.memref_slice %arg9[%mul3A_71, %dma_wait3A_274, %dma_wait3A_278] : memref<128x2x100xi32, #tpu.memory_space<vmem>> -> memref<1x1x100xi32, #tpu.memory_space<vmem>>
      %dma_wait3A_280 = tpu.memref_squeeze %dma_wait3A_279 : memref<1x1x100xi32, #tpu.memory_space<vmem>> -> memref<100xi32, #tpu.memory_space<vmem>>
      %dma_wait3A_281 = arith.constant 0 : i32
      %dma_wait3A_282 = arith.constant 0 : i32
      %dma_wait3A_283 = tpu.memref_slice %arg4[%dma_wait3A_281, %dma_wait3A_282] : memref<100001x128xf32, #tpu.memory_space<hbm>> -> memref<100001x128xf32, #tpu.memory_space<hbm>>
      tpu.wait_indirect_dma semaphore(%arg15 : memref<!tpu.dma_semaphore, #tpu.memory_space<semaphore_mem>>) src(%dma_wait3A_283 : memref<100001x128xf32, #tpu.memory_space<hbm>>) dst(%dma_wait3A_277 : memref<100x128xf32, #tpu.memory_space<vmem>>)
      %dma_wait3A_284 = arith.constant 1 : i32
      %dma_wait3A_285 = arith.constant 100 : i32
      %dma_wait3A_286 = arith.constant 0 : i32
      %dma_wait3A_287 = tpu.memref_slice %arg11[%dma_wait3A_285, %dma_wait3A_286] : memref<200x128xf32, #tpu.memory_space<vmem>> -> memref<100x128xf32, #tpu.memory_space<vmem>>
      %dma_wait3A_288 = arith.constant 0 : i32
      %dma_wait3A_289 = tpu.memref_slice %arg9[%mul3A_71, %dma_wait3A_284, %dma_wait3A_288] : memref<128x2x100xi32, #tpu.memory_space<vmem>> -> memref<1x1x100xi32, #tpu.memory_space<vmem>>
      %dma_wait3A_290 = tpu.memref_squeeze %dma_wait3A_289 : memref<1x1x100xi32, #tpu.memory_space<vmem>> -> memref<100xi32, #tpu.memory_space<vmem>>
      %dma_wait3A_291 = arith.constant 0 : i32
      %dma_wait3A_292 = arith.constant 0 : i32
      %dma_wait3A_293 = tpu.memref_slice %arg4[%dma_wait3A_291, %dma_wait3A_292] : memref<100001x128xf32, #tpu.memory_space<hbm>> -> memref<100001x128xf32, #tpu.memory_space<hbm>>
      tpu.wait_indirect_dma semaphore(%arg15 : memref<!tpu.dma_semaphore, #tpu.memory_space<semaphore_mem>>) src(%dma_wait3A_293 : memref<100001x128xf32, #tpu.memory_space<hbm>>) dst(%dma_wait3A_287 : memref<100x128xf32, #tpu.memory_space<vmem>>)
      %gt3A = arith.constant 0 : i32
      %gt3A_294 = arith.cmpi sgt, %scan3A_69, %gt3A : i32
      %convert_element_type3A = arith.extui %gt3A_294 : i1 to i32
      %cond3A = arith.constant 0 : i32
      %cond3A_295 = arith.cmpi ne, %convert_element_type3A, %cond3A : i32
      scf.if %cond3A_295 {
        %add3A_670 = arith.addi %mul3A_2, %mul3A_71 : i32
        %sub3A_671 = arith.constant 2 : i32
        %sub3A_672 = arith.subi %add3A_670, %sub3A_671 : i32
        %dma_wait3A_673 = arith.constant 0 : i32
        %dma_wait3A_674 = tpu.memref_slice %arg6[%sub3A_672, %dma_wait3A_673] : memref<4096x128xf32, #tpu.memory_space<hbm>> -> memref<1x128xf32, #tpu.memory_space<hbm>>
        %dma_wait3A_675 = tpu.memref_squeeze %dma_wait3A_674 : memref<1x128xf32, #tpu.memory_space<hbm>> -> memref<128xf32, #tpu.memory_space<hbm>>
        %dma_wait3A_676 = arith.constant 0 : i32
        %dma_wait3A_677 = tpu.memref_slice %arg6[%sub3A_672, %dma_wait3A_676] : memref<4096x128xf32, #tpu.memory_space<hbm>> -> memref<1x128xf32, #tpu.memory_space<hbm>>
        %dma_wait3A_678 = tpu.memref_squeeze %dma_wait3A_677 : memref<1x128xf32, #tpu.memory_space<hbm>> -> memref<128xf32, #tpu.memory_space<hbm>>
        tpu.wait_dma2 semaphore(%arg17 : memref<!tpu.dma_semaphore, #tpu.memory_space<semaphore_mem>>) src(%arg13 : memref<128xf32, #tpu.memory_space<vmem>>) dst(%dma_wait3A_678 : memref<128xf32, #tpu.memory_space<hbm>>)
      } else {
      }
      %broadcast_in_dim3A_296 = arith.constant 0.000000e+00 : f32
      %broadcast_in_dim3A_297 = vector.broadcast %broadcast_in_dim3A_296 : f32 to vector<16xf32>
      %broadcast_in_dim3A_298 = arith.constant 0.000000e+00 : f32
      %broadcast_in_dim3A_299 = vector.broadcast %broadcast_in_dim3A_298 : f32 to vector<16xf32>
      %broadcast_in_dim3A_300 = arith.constant 0.000000e+00 : f32
      %broadcast_in_dim3A_301 = vector.broadcast %broadcast_in_dim3A_300 : f32 to vector<16xf32>
      %broadcast_in_dim3A_302 = arith.constant 0.000000e+00 : f32
      %broadcast_in_dim3A_303 = vector.broadcast %broadcast_in_dim3A_302 : f32 to vector<16xf32>
      %broadcast_in_dim3A_304 = arith.constant 0.000000e+00 : f32
      %broadcast_in_dim3A_305 = vector.broadcast %broadcast_in_dim3A_304 : f32 to vector<16xf32>
      %broadcast_in_dim3A_306 = arith.constant 0.000000e+00 : f32
      %broadcast_in_dim3A_307 = vector.broadcast %broadcast_in_dim3A_306 : f32 to vector<16xf32>
      %broadcast_in_dim3A_308 = arith.constant 0.000000e+00 : f32
      %broadcast_in_dim3A_309 = vector.broadcast %broadcast_in_dim3A_308 : f32 to vector<16xf32>
      %broadcast_in_dim3A_310 = arith.constant 0.000000e+00 : f32
      %broadcast_in_dim3A_311 = vector.broadcast %broadcast_in_dim3A_310 : f32 to vector<16xf32>
      %scan3A_312 = arith.constant 0 : i32
      %scan3A_313 = arith.constant 200 : i32
      %scan3A_314 = arith.addi %scan3A_312, %scan3A_313 : i32
      %scan3A_315 = arith.constant 1 : i32
      %scan3A_316:8 = scf.for %scan3A_670 = %scan3A_312 to %scan3A_314 step %scan3A_315 iter_args(%scan3A_671 = %broadcast_in_dim3A_297, %scan3A_672 = %broadcast_in_dim3A_299, %scan3A_673 = %broadcast_in_dim3A_301, %scan3A_674 = %broadcast_in_dim3A_303, %scan3A_675 = %broadcast_in_dim3A_305, %scan3A_676 = %broadcast_in_dim3A_307, %scan3A_677 = %broadcast_in_dim3A_309, %scan3A_678 = %broadcast_in_dim3A_311) -> (vector<16xf32>, vector<16xf32>, vector<16xf32>, vector<16xf32>, vector<16xf32>, vector<16xf32>, vector<16xf32>, vector<16xf32>)  : i32 {
        %broadcast_in_dim3A_679 = vector.broadcast %scan3A_670 : i32 to vector<16xi32>
        %gather3A_680 = tpu.vector_load_idx %arg10[%broadcast_in_dim3A_679] : memref<208xf32, #tpu.memory_space<vmem>>[vector<16xi32>], vector<16xf32>,
        %get3A_681 = arith.index_cast %scan3A_670 : i32 to index
        %get3A_682 = arith.constant 0 : index
        %get3A_683 = tpu.vector_load %arg11[%get3A_681, %get3A_682] {strides = array<i32>} : memref<200x128xf32, #tpu.memory_space<vmem>>, vector<16xf32>,
        %mul3A_684 = arith.mulf %gather3A_680, %get3A_683 : vector<16xf32>
        %add3A_685 = arith.addf %scan3A_671, %mul3A_684 : vector<16xf32>
        %get3A_686 = arith.index_cast %scan3A_670 : i32 to index
        %get3A_687 = arith.constant 16 : index
        %get3A_688 = tpu.vector_load %arg11[%get3A_686, %get3A_687] {strides = array<i32>} : memref<200x128xf32, #tpu.memory_space<vmem>>, vector<16xf32>,
        %mul3A_689 = arith.mulf %gather3A_680, %get3A_688 : vector<16xf32>
        %add3A_690 = arith.addf %scan3A_672, %mul3A_689 : vector<16xf32>
        %get3A_691 = arith.index_cast %scan3A_670 : i32 to index
        %get3A_692 = arith.constant 32 : index
        %get3A_693 = tpu.vector_load %arg11[%get3A_691, %get3A_692] {strides = array<i32>} : memref<200x128xf32, #tpu.memory_space<vmem>>, vector<16xf32>,
        %mul3A_694 = arith.mulf %gather3A_680, %get3A_693 : vector<16xf32>
        %add3A_695 = arith.addf %scan3A_673, %mul3A_694 : vector<16xf32>
        %get3A_696 = arith.index_cast %scan3A_670 : i32 to index
        %get3A_697 = arith.constant 48 : index
        %get3A_698 = tpu.vector_load %arg11[%get3A_696, %get3A_697] {strides = array<i32>} : memref<200x128xf32, #tpu.memory_space<vmem>>, vector<16xf32>,
        %mul3A_699 = arith.mulf %gather3A_680, %get3A_698 : vector<16xf32>
        %add3A_700 = arith.addf %scan3A_674, %mul3A_699 : vector<16xf32>
        %get3A_701 = arith.index_cast %scan3A_670 : i32 to index
        %get3A_702 = arith.constant 64 : index
        %get3A_703 = tpu.vector_load %arg11[%get3A_701, %get3A_702] {strides = array<i32>} : memref<200x128xf32, #tpu.memory_space<vmem>>, vector<16xf32>,
        %mul3A_704 = arith.mulf %gather3A_680, %get3A_703 : vector<16xf32>
        %add3A_705 = arith.addf %scan3A_675, %mul3A_704 : vector<16xf32>
        %get3A_706 = arith.index_cast %scan3A_670 : i32 to index
        %get3A_707 = arith.constant 80 : index
        %get3A_708 = tpu.vector_load %arg11[%get3A_706, %get3A_707] {strides = array<i32>} : memref<200x128xf32, #tpu.memory_space<vmem>>, vector<16xf32>,
        %mul3A_709 = arith.mulf %gather3A_680, %get3A_708 : vector<16xf32>
        %add3A_710 = arith.addf %scan3A_676, %mul3A_709 : vector<16xf32>
        %get3A_711 = arith.index_cast %scan3A_670 : i32 to index
        %get3A_712 = arith.constant 96 : index
        %get3A_713 = tpu.vector_load %arg11[%get3A_711, %get3A_712] {strides = array<i32>} : memref<200x128xf32, #tpu.memory_space<vmem>>, vector<16xf32>,
        %mul3A_714 = arith.mulf %gather3A_680, %get3A_713 : vector<16xf32>
        %add3A_715 = arith.addf %scan3A_677, %mul3A_714 : vector<16xf32>
        %get3A_716 = arith.index_cast %scan3A_670 : i32 to index
        %get3A_717 = arith.constant 112 : index
        %get3A_718 = tpu.vector_load %arg11[%get3A_716, %get3A_717] {strides = array<i32>} : memref<200x128xf32, #tpu.memory_space<vmem>>, vector<16xf32>,
        %mul3A_719 = arith.mulf %gather3A_680, %get3A_718 : vector<16xf32>
        %add3A_720 = arith.addf %scan3A_678, %mul3A_719 : vector<16xf32>
        scf.yield %add3A_685, %add3A_690, %add3A_695, %add3A_700, %add3A_705, %add3A_710, %add3A_715, %add3A_720 : vector<16xf32>, vector<16xf32>, vector<16xf32>, vector<16xf32>, vector<16xf32>, vector<16xf32>, vector<16xf32>, vector<16xf32>
      }
      %scan3A_317 = arith.constant 200 : i32
      %div3A = vector.broadcast %reduce_sum3A_273 : f32 to vector<16xf32>
      %div3A_318 = arith.divf %scan3A_316#0, %div3A : vector<16xf32>
      %swap3A_319 = arith.constant 0 : index
      %swap3A_320 = tpu.vector_load %arg13[%swap3A_319] {strides = array<i32>} : memref<128xf32, #tpu.memory_space<vmem>>, vector<16xf32>,
      tpu.vector_store %arg13[%swap3A_319], %div3A_318 {strides = array<i32>} : memref<128xf32, #tpu.memory_space<vmem>>, vector<16xf32>,
      %div3A_321 = vector.broadcast %reduce_sum3A_273 : f32 to vector<16xf32>
      %div3A_322 = arith.divf %scan3A_316#1, %div3A_321 : vector<16xf32>
      %swap3A_323 = arith.constant 16 : index
      %swap3A_324 = tpu.vector_load %arg13[%swap3A_323] {strides = array<i32>} : memref<128xf32, #tpu.memory_space<vmem>>, vector<16xf32>,
      tpu.vector_store %arg13[%swap3A_323], %div3A_322 {strides = array<i32>} : memref<128xf32, #tpu.memory_space<vmem>>, vector<16xf32>,
      %div3A_325 = vector.broadcast %reduce_sum3A_273 : f32 to vector<16xf32>
      %div3A_326 = arith.divf %scan3A_316#2, %div3A_325 : vector<16xf32>
      %swap3A_327 = arith.constant 32 : index
      %swap3A_328 = tpu.vector_load %arg13[%swap3A_327] {strides = array<i32>} : memref<128xf32, #tpu.memory_space<vmem>>, vector<16xf32>,
      tpu.vector_store %arg13[%swap3A_327], %div3A_326 {strides = array<i32>} : memref<128xf32, #tpu.memory_space<vmem>>, vector<16xf32>,
      %div3A_329 = vector.broadcast %reduce_sum3A_273 : f32 to vector<16xf32>
      %div3A_330 = arith.divf %scan3A_316#3, %div3A_329 : vector<16xf32>
      %swap3A_331 = arith.constant 48 : index
      %swap3A_332 = tpu.vector_load %arg13[%swap3A_331] {strides = array<i32>} : memref<128xf32, #tpu.memory_space<vmem>>, vector<16xf32>,
      tpu.vector_store %arg13[%swap3A_331], %div3A_330 {strides = array<i32>} : memref<128xf32, #tpu.memory_space<vmem>>, vector<16xf32>,
      %div3A_333 = vector.broadcast %reduce_sum3A_273 : f32 to vector<16xf32>
      %div3A_334 = arith.divf %scan3A_316#4, %div3A_333 : vector<16xf32>
      %swap3A_335 = arith.constant 64 : index
      %swap3A_336 = tpu.vector_load %arg13[%swap3A_335] {strides = array<i32>} : memref<128xf32, #tpu.memory_space<vmem>>, vector<16xf32>,
      tpu.vector_store %arg13[%swap3A_335], %div3A_334 {strides = array<i32>} : memref<128xf32, #tpu.memory_space<vmem>>, vector<16xf32>,
      %div3A_337 = vector.broadcast %reduce_sum3A_273 : f32 to vector<16xf32>
      %div3A_338 = arith.divf %scan3A_316#5, %div3A_337 : vector<16xf32>
      %swap3A_339 = arith.constant 80 : index
      %swap3A_340 = tpu.vector_load %arg13[%swap3A_339] {strides = array<i32>} : memref<128xf32, #tpu.memory_space<vmem>>, vector<16xf32>,
      tpu.vector_store %arg13[%swap3A_339], %div3A_338 {strides = array<i32>} : memref<128xf32, #tpu.memory_space<vmem>>, vector<16xf32>,
      %div3A_341 = vector.broadcast %reduce_sum3A_273 : f32 to vector<16xf32>
      %div3A_342 = arith.divf %scan3A_316#6, %div3A_341 : vector<16xf32>
      %swap3A_343 = arith.constant 96 : index
      %swap3A_344 = tpu.vector_load %arg13[%swap3A_343] {strides = array<i32>} : memref<128xf32, #tpu.memory_space<vmem>>, vector<16xf32>,
      tpu.vector_store %arg13[%swap3A_343], %div3A_342 {strides = array<i32>} : memref<128xf32, #tpu.memory_space<vmem>>, vector<16xf32>,
      %div3A_345 = vector.broadcast %reduce_sum3A_273 : f32 to vector<16xf32>
      %div3A_346 = arith.divf %scan3A_316#7, %div3A_345 : vector<16xf32>
      %swap3A_347 = arith.constant 112 : index
      %swap3A_348 = tpu.vector_load %arg13[%swap3A_347] {strides = array<i32>} : memref<128xf32, #tpu.memory_space<vmem>>, vector<16xf32>,
      tpu.vector_store %arg13[%swap3A_347], %div3A_346 {strides = array<i32>} : memref<128xf32, #tpu.memory_space<vmem>>, vector<16xf32>,
      %add3A_349 = arith.addi %mul3A_2, %mul3A_71 : i32
      %dma_start3A_350 = arith.constant 0 : i32
      %dma_start3A_351 = tpu.memref_slice %arg6[%add3A_349, %dma_start3A_350] : memref<4096x128xf32, #tpu.memory_space<hbm>> -> memref<1x128xf32, #tpu.memory_space<hbm>>
      %dma_start3A_352 = tpu.memref_squeeze %dma_start3A_351 : memref<1x128xf32, #tpu.memory_space<hbm>> -> memref<128xf32, #tpu.memory_space<hbm>>
      %dma_start3A_353 = arith.constant 0 : i32
      %dma_start3A_354 = tpu.memref_slice %arg6[%add3A_349, %dma_start3A_353] : memref<4096x128xf32, #tpu.memory_space<hbm>> -> memref<1x128xf32, #tpu.memory_space<hbm>>
      %dma_start3A_355 = tpu.memref_squeeze %dma_start3A_354 : memref<1x128xf32, #tpu.memory_space<hbm>> -> memref<128xf32, #tpu.memory_space<hbm>>
      tpu.enqueue_dma source(%arg13 : memref<128xf32, #tpu.memory_space<vmem>>) target(%dma_start3A_355 : memref<128xf32, #tpu.memory_space<hbm>>) target_semaphore(%arg17 : memref<!tpu.dma_semaphore, #tpu.memory_space<semaphore_mem>>)
      %lt3A_356 = arith.constant 63 : i32
      %lt3A_357 = arith.cmpi slt, %scan3A_69, %lt3A_356 : i32
      %convert_element_type3A_358 = arith.extui %lt3A_357 : i1 to i32
      %cond3A_359 = arith.constant 0 : i32
      %cond3A_360 = arith.cmpi ne, %convert_element_type3A_358, %cond3A_359 : i32
      scf.if %cond3A_360 {
        %add3A_670 = arith.constant 2 : i32
        %add3A_671 = arith.addi %mul3A_71, %add3A_670 : i32
        %dma_start3A_672 = arith.constant 0 : i32
        %dma_start3A_673 = arith.constant 0 : i32
        %dma_start3A_674 = arith.constant 0 : i32
        %dma_start3A_675 = tpu.memref_slice %arg11[%dma_start3A_673, %dma_start3A_674] : memref<200x128xf32, #tpu.memory_space<vmem>> -> memref<100x128xf32, #tpu.memory_space<vmem>>
        %dma_start3A_676 = arith.constant 0 : i32
        %dma_start3A_677 = tpu.memref_slice %arg9[%add3A_671, %dma_start3A_672, %dma_start3A_676] : memref<128x2x100xi32, #tpu.memory_space<vmem>> -> memref<1x1x100xi32, #tpu.memory_space<vmem>>
        %dma_start3A_678 = tpu.memref_squeeze %dma_start3A_677 : memref<1x1x100xi32, #tpu.memory_space<vmem>> -> memref<100xi32, #tpu.memory_space<vmem>>
        %dma_start3A_679 = arith.constant 0 : i32
        %dma_start3A_680 = arith.constant 0 : i32
        %dma_start3A_681 = tpu.memref_slice %arg4[%dma_start3A_679, %dma_start3A_680] : memref<100001x128xf32, #tpu.memory_space<hbm>> -> memref<100001x128xf32, #tpu.memory_space<hbm>>
        tpu.enqueue_indirect_dma source(%dma_start3A_681 : memref<100001x128xf32, #tpu.memory_space<hbm>>) target(%dma_start3A_675 : memref<100x128xf32, #tpu.memory_space<vmem>>) offsets(%dma_start3A_678 : memref<100xi32, #tpu.memory_space<vmem>>) semaphore(%arg15 : memref<!tpu.dma_semaphore, #tpu.memory_space<semaphore_mem>>)
        %dma_start3A_682 = arith.constant 1 : i32
        %dma_start3A_683 = arith.constant 100 : i32
        %dma_start3A_684 = arith.constant 0 : i32
        %dma_start3A_685 = tpu.memref_slice %arg11[%dma_start3A_683, %dma_start3A_684] : memref<200x128xf32, #tpu.memory_space<vmem>> -> memref<100x128xf32, #tpu.memory_space<vmem>>
        %dma_start3A_686 = arith.constant 0 : i32
        %dma_start3A_687 = tpu.memref_slice %arg9[%add3A_671, %dma_start3A_682, %dma_start3A_686] : memref<128x2x100xi32, #tpu.memory_space<vmem>> -> memref<1x1x100xi32, #tpu.memory_space<vmem>>
        %dma_start3A_688 = tpu.memref_squeeze %dma_start3A_687 : memref<1x1x100xi32, #tpu.memory_space<vmem>> -> memref<100xi32, #tpu.memory_space<vmem>>
        %dma_start3A_689 = arith.constant 0 : i32
        %dma_start3A_690 = arith.constant 0 : i32
        %dma_start3A_691 = tpu.memref_slice %arg4[%dma_start3A_689, %dma_start3A_690] : memref<100001x128xf32, #tpu.memory_space<hbm>> -> memref<100001x128xf32, #tpu.memory_space<hbm>>
        tpu.enqueue_indirect_dma source(%dma_start3A_691 : memref<100001x128xf32, #tpu.memory_space<hbm>>) target(%dma_start3A_685 : memref<100x128xf32, #tpu.memory_space<vmem>>) offsets(%dma_start3A_688 : memref<100xi32, #tpu.memory_space<vmem>>) semaphore(%arg15 : memref<!tpu.dma_semaphore, #tpu.memory_space<semaphore_mem>>)
      } else {
      }
      %mul3A_361 = arith.constant 2 : i32
      %mul3A_362 = arith.muli %mul3A_361, %scan3A_69 : i32
      %add3A_363 = arith.constant 1 : i32
      %add3A_364 = arith.addi %mul3A_362, %add3A_363 : i32
      %iota3A_365 = tpu.iota {dimensions = array<i32: 0>} : vector<16xi32>
      %broadcast_in_dim3A_366 = arith.constant -3.000000e+38 : f32
      %broadcast_in_dim3A_367 = vector.broadcast %broadcast_in_dim3A_366 : f32 to vector<16xf32>
      %get3A_368 = arith.index_cast %add3A_364 : i32 to index
      %get3A_369 = arith.constant 0 : index
      %get3A_370 = tpu.vector_load %arg8[%get3A_368, %get3A_369] {strides = array<i32>} : memref<128x208xi32, #tpu.memory_space<vmem>>, vector<16xi32>,
      %gather3A_371 = tpu.vector_load_idx %arg7[%get3A_370] : memref<10104xf32, #tpu.memory_space<vmem>>[vector<16xi32>], vector<16xf32>,
      %max3A_372 = arith.maximumf %broadcast_in_dim3A_367, %gather3A_371 : vector<16xf32>
      %swap3A_373 = arith.constant 0 : index
      %swap3A_374 = tpu.vector_load %arg10[%swap3A_373] {strides = array<i32>} : memref<208xf32, #tpu.memory_space<vmem>>, vector<16xf32>,
      tpu.vector_store %arg10[%swap3A_373], %gather3A_371 {strides = array<i32>} : memref<208xf32, #tpu.memory_space<vmem>>, vector<16xf32>,
      %get3A_375 = arith.index_cast %add3A_364 : i32 to index
      %get3A_376 = arith.constant 16 : index
      %get3A_377 = tpu.vector_load %arg8[%get3A_375, %get3A_376] {strides = array<i32>} : memref<128x208xi32, #tpu.memory_space<vmem>>, vector<16xi32>,
      %gather3A_378 = tpu.vector_load_idx %arg7[%get3A_377] : memref<10104xf32, #tpu.memory_space<vmem>>[vector<16xi32>], vector<16xf32>,
      %max3A_379 = arith.maximumf %max3A_372, %gather3A_378 : vector<16xf32>
      %swap3A_380 = arith.constant 16 : index
      %swap3A_381 = tpu.vector_load %arg10[%swap3A_380] {strides = array<i32>} : memref<208xf32, #tpu.memory_space<vmem>>, vector<16xf32>,
      tpu.vector_store %arg10[%swap3A_380], %gather3A_378 {strides = array<i32>} : memref<208xf32, #tpu.memory_space<vmem>>, vector<16xf32>,
      %get3A_382 = arith.index_cast %add3A_364 : i32 to index
      %get3A_383 = arith.constant 32 : index
      %get3A_384 = tpu.vector_load %arg8[%get3A_382, %get3A_383] {strides = array<i32>} : memref<128x208xi32, #tpu.memory_space<vmem>>, vector<16xi32>,
      %gather3A_385 = tpu.vector_load_idx %arg7[%get3A_384] : memref<10104xf32, #tpu.memory_space<vmem>>[vector<16xi32>], vector<16xf32>,
      %max3A_386 = arith.maximumf %max3A_379, %gather3A_385 : vector<16xf32>
      %swap3A_387 = arith.constant 32 : index
      %swap3A_388 = tpu.vector_load %arg10[%swap3A_387] {strides = array<i32>} : memref<208xf32, #tpu.memory_space<vmem>>, vector<16xf32>,
      tpu.vector_store %arg10[%swap3A_387], %gather3A_385 {strides = array<i32>} : memref<208xf32, #tpu.memory_space<vmem>>, vector<16xf32>,
      %get3A_389 = arith.index_cast %add3A_364 : i32 to index
      %get3A_390 = arith.constant 48 : index
      %get3A_391 = tpu.vector_load %arg8[%get3A_389, %get3A_390] {strides = array<i32>} : memref<128x208xi32, #tpu.memory_space<vmem>>, vector<16xi32>,
      %gather3A_392 = tpu.vector_load_idx %arg7[%get3A_391] : memref<10104xf32, #tpu.memory_space<vmem>>[vector<16xi32>], vector<16xf32>,
      %max3A_393 = arith.maximumf %max3A_386, %gather3A_392 : vector<16xf32>
      %swap3A_394 = arith.constant 48 : index
      %swap3A_395 = tpu.vector_load %arg10[%swap3A_394] {strides = array<i32>} : memref<208xf32, #tpu.memory_space<vmem>>, vector<16xf32>,
      tpu.vector_store %arg10[%swap3A_394], %gather3A_392 {strides = array<i32>} : memref<208xf32, #tpu.memory_space<vmem>>, vector<16xf32>,
      %get3A_396 = arith.index_cast %add3A_364 : i32 to index
      %get3A_397 = arith.constant 64 : index
      %get3A_398 = tpu.vector_load %arg8[%get3A_396, %get3A_397] {strides = array<i32>} : memref<128x208xi32, #tpu.memory_space<vmem>>, vector<16xi32>,
      %gather3A_399 = tpu.vector_load_idx %arg7[%get3A_398] : memref<10104xf32, #tpu.memory_space<vmem>>[vector<16xi32>], vector<16xf32>,
      %max3A_400 = arith.maximumf %max3A_393, %gather3A_399 : vector<16xf32>
      %swap3A_401 = arith.constant 64 : index
      %swap3A_402 = tpu.vector_load %arg10[%swap3A_401] {strides = array<i32>} : memref<208xf32, #tpu.memory_space<vmem>>, vector<16xf32>,
      tpu.vector_store %arg10[%swap3A_401], %gather3A_399 {strides = array<i32>} : memref<208xf32, #tpu.memory_space<vmem>>, vector<16xf32>,
      %get3A_403 = arith.index_cast %add3A_364 : i32 to index
      %get3A_404 = arith.constant 80 : index
      %get3A_405 = tpu.vector_load %arg8[%get3A_403, %get3A_404] {strides = array<i32>} : memref<128x208xi32, #tpu.memory_space<vmem>>, vector<16xi32>,
      %gather3A_406 = tpu.vector_load_idx %arg7[%get3A_405] : memref<10104xf32, #tpu.memory_space<vmem>>[vector<16xi32>], vector<16xf32>,
      %max3A_407 = arith.maximumf %max3A_400, %gather3A_406 : vector<16xf32>
      %swap3A_408 = arith.constant 80 : index
      %swap3A_409 = tpu.vector_load %arg10[%swap3A_408] {strides = array<i32>} : memref<208xf32, #tpu.memory_space<vmem>>, vector<16xf32>,
      tpu.vector_store %arg10[%swap3A_408], %gather3A_406 {strides = array<i32>} : memref<208xf32, #tpu.memory_space<vmem>>, vector<16xf32>,
      %get3A_410 = arith.index_cast %add3A_364 : i32 to index
      %get3A_411 = arith.constant 96 : index
      %get3A_412 = tpu.vector_load %arg8[%get3A_410, %get3A_411] {strides = array<i32>} : memref<128x208xi32, #tpu.memory_space<vmem>>, vector<16xi32>,
      %gather3A_413 = tpu.vector_load_idx %arg7[%get3A_412] : memref<10104xf32, #tpu.memory_space<vmem>>[vector<16xi32>], vector<16xf32>,
      %max3A_414 = arith.maximumf %max3A_407, %gather3A_413 : vector<16xf32>
      %swap3A_415 = arith.constant 96 : index
      %swap3A_416 = tpu.vector_load %arg10[%swap3A_415] {strides = array<i32>} : memref<208xf32, #tpu.memory_space<vmem>>, vector<16xf32>,
      tpu.vector_store %arg10[%swap3A_415], %gather3A_413 {strides = array<i32>} : memref<208xf32, #tpu.memory_space<vmem>>, vector<16xf32>,
      %get3A_417 = arith.index_cast %add3A_364 : i32 to index
      %get3A_418 = arith.constant 112 : index
      %get3A_419 = tpu.vector_load %arg8[%get3A_417, %get3A_418] {strides = array<i32>} : memref<128x208xi32, #tpu.memory_space<vmem>>, vector<16xi32>,
      %gather3A_420 = tpu.vector_load_idx %arg7[%get3A_419] : memref<10104xf32, #tpu.memory_space<vmem>>[vector<16xi32>], vector<16xf32>,
      %max3A_421 = arith.maximumf %max3A_414, %gather3A_420 : vector<16xf32>
      %swap3A_422 = arith.constant 112 : index
      %swap3A_423 = tpu.vector_load %arg10[%swap3A_422] {strides = array<i32>} : memref<208xf32, #tpu.memory_space<vmem>>, vector<16xf32>,
      tpu.vector_store %arg10[%swap3A_422], %gather3A_420 {strides = array<i32>} : memref<208xf32, #tpu.memory_space<vmem>>, vector<16xf32>,
      %get3A_424 = arith.index_cast %add3A_364 : i32 to index
      %get3A_425 = arith.constant 128 : index
      %get3A_426 = tpu.vector_load %arg8[%get3A_424, %get3A_425] {strides = array<i32>} : memref<128x208xi32, #tpu.memory_space<vmem>>, vector<16xi32>,
      %gather3A_427 = tpu.vector_load_idx %arg7[%get3A_426] : memref<10104xf32, #tpu.memory_space<vmem>>[vector<16xi32>], vector<16xf32>,
      %max3A_428 = arith.maximumf %max3A_421, %gather3A_427 : vector<16xf32>
      %swap3A_429 = arith.constant 128 : index
      %swap3A_430 = tpu.vector_load %arg10[%swap3A_429] {strides = array<i32>} : memref<208xf32, #tpu.memory_space<vmem>>, vector<16xf32>,
      tpu.vector_store %arg10[%swap3A_429], %gather3A_427 {strides = array<i32>} : memref<208xf32, #tpu.memory_space<vmem>>, vector<16xf32>,
      %get3A_431 = arith.index_cast %add3A_364 : i32 to index
      %get3A_432 = arith.constant 144 : index
      %get3A_433 = tpu.vector_load %arg8[%get3A_431, %get3A_432] {strides = array<i32>} : memref<128x208xi32, #tpu.memory_space<vmem>>, vector<16xi32>,
      %gather3A_434 = tpu.vector_load_idx %arg7[%get3A_433] : memref<10104xf32, #tpu.memory_space<vmem>>[vector<16xi32>], vector<16xf32>,
      %max3A_435 = arith.maximumf %max3A_428, %gather3A_434 : vector<16xf32>
      %swap3A_436 = arith.constant 144 : index
      %swap3A_437 = tpu.vector_load %arg10[%swap3A_436] {strides = array<i32>} : memref<208xf32, #tpu.memory_space<vmem>>, vector<16xf32>,
      tpu.vector_store %arg10[%swap3A_436], %gather3A_434 {strides = array<i32>} : memref<208xf32, #tpu.memory_space<vmem>>, vector<16xf32>,
      %get3A_438 = arith.index_cast %add3A_364 : i32 to index
      %get3A_439 = arith.constant 160 : index
      %get3A_440 = tpu.vector_load %arg8[%get3A_438, %get3A_439] {strides = array<i32>} : memref<128x208xi32, #tpu.memory_space<vmem>>, vector<16xi32>,
      %gather3A_441 = tpu.vector_load_idx %arg7[%get3A_440] : memref<10104xf32, #tpu.memory_space<vmem>>[vector<16xi32>], vector<16xf32>,
      %max3A_442 = arith.maximumf %max3A_435, %gather3A_441 : vector<16xf32>
      %swap3A_443 = arith.constant 160 : index
      %swap3A_444 = tpu.vector_load %arg10[%swap3A_443] {strides = array<i32>} : memref<208xf32, #tpu.memory_space<vmem>>, vector<16xf32>,
      tpu.vector_store %arg10[%swap3A_443], %gather3A_441 {strides = array<i32>} : memref<208xf32, #tpu.memory_space<vmem>>, vector<16xf32>,
      %get3A_445 = arith.index_cast %add3A_364 : i32 to index
      %get3A_446 = arith.constant 176 : index
      %get3A_447 = tpu.vector_load %arg8[%get3A_445, %get3A_446] {strides = array<i32>} : memref<128x208xi32, #tpu.memory_space<vmem>>, vector<16xi32>,
      %gather3A_448 = tpu.vector_load_idx %arg7[%get3A_447] : memref<10104xf32, #tpu.memory_space<vmem>>[vector<16xi32>], vector<16xf32>,
      %max3A_449 = arith.maximumf %max3A_442, %gather3A_448 : vector<16xf32>
      %swap3A_450 = arith.constant 176 : index
      %swap3A_451 = tpu.vector_load %arg10[%swap3A_450] {strides = array<i32>} : memref<208xf32, #tpu.memory_space<vmem>>, vector<16xf32>,
      tpu.vector_store %arg10[%swap3A_450], %gather3A_448 {strides = array<i32>} : memref<208xf32, #tpu.memory_space<vmem>>, vector<16xf32>,
      %get3A_452 = arith.index_cast %add3A_364 : i32 to index
      %get3A_453 = arith.constant 192 : index
      %get3A_454 = tpu.vector_load %arg8[%get3A_452, %get3A_453] {strides = array<i32>} : memref<128x208xi32, #tpu.memory_space<vmem>>, vector<16xi32>,
      %gather3A_455 = tpu.vector_load_idx %arg7[%get3A_454] : memref<10104xf32, #tpu.memory_space<vmem>>[vector<16xi32>], vector<16xf32>,
      %lt3A_456 = arith.constant 8 : i32
      %lt3A_457 = vector.broadcast %lt3A_456 : i32 to vector<16xi32>
      %lt3A_458 = arith.cmpi slt, %iota3A_365, %lt3A_457 : vector<16xi32>
      %jit3A_459 = arith.constant -3.000000e+38 : f32
      %broadcast_in_dim3A_460 = vector.broadcast %jit3A_459 : f32 to vector<16xf32>
      %select_n3A_461 = arith.select %lt3A_458, %gather3A_455, %broadcast_in_dim3A_460 : vector<16xi1>, vector<16xf32>
      %max3A_462 = arith.maximumf %max3A_449, %select_n3A_461 : vector<16xf32>
      %swap3A_463 = arith.constant 192 : index
      %swap3A_464 = tpu.vector_load %arg10[%swap3A_463] {strides = array<i32>} : memref<208xf32, #tpu.memory_space<vmem>>, vector<16xf32>,
      tpu.vector_store %arg10[%swap3A_463], %select_n3A_461 {strides = array<i32>} : memref<208xf32, #tpu.memory_space<vmem>>, vector<16xf32>,
      %reduce_max3A_465 = arith.constant true
      %reduce_max3A_466 = vector.broadcast %reduce_max3A_465 : i1 to vector<16xi1>
      %reduce_max3A_467 = tpu.scan <max>, %max3A_462 masked %reduce_max3A_466 : vector<16xf32>, vector<16xi1> -> vector<16xf32>
      %reduce_max3A_468 = vector.extract %reduce_max3A_467[15] : f32 from vector<16xf32>
      %broadcast_in_dim3A_469 = arith.constant 0.000000e+00 : f32
      %broadcast_in_dim3A_470 = vector.broadcast %broadcast_in_dim3A_469 : f32 to vector<16xf32>
      %get3A_471 = arith.constant 0 : index
      %get3A_472 = tpu.vector_load %arg10[%get3A_471] {strides = array<i32>} : memref<208xf32, #tpu.memory_space<vmem>>, vector<16xf32>,
      %sub3A_473 = vector.broadcast %reduce_max3A_468 : f32 to vector<16xf32>
      %sub3A_474 = arith.subf %get3A_472, %sub3A_473 : vector<16xf32>
      %exp3A_475 = math.exp %sub3A_474 : vector<16xf32>
      %add3A_476 = arith.addf %broadcast_in_dim3A_470, %exp3A_475 : vector<16xf32>
      %swap3A_477 = arith.constant 0 : index
      %swap3A_478 = tpu.vector_load %arg10[%swap3A_477] {strides = array<i32>} : memref<208xf32, #tpu.memory_space<vmem>>, vector<16xf32>,
      tpu.vector_store %arg10[%swap3A_477], %exp3A_475 {strides = array<i32>} : memref<208xf32, #tpu.memory_space<vmem>>, vector<16xf32>,
      %get3A_479 = arith.constant 16 : index
      %get3A_480 = tpu.vector_load %arg10[%get3A_479] {strides = array<i32>} : memref<208xf32, #tpu.memory_space<vmem>>, vector<16xf32>,
      %sub3A_481 = vector.broadcast %reduce_max3A_468 : f32 to vector<16xf32>
      %sub3A_482 = arith.subf %get3A_480, %sub3A_481 : vector<16xf32>
      %exp3A_483 = math.exp %sub3A_482 : vector<16xf32>
      %add3A_484 = arith.addf %add3A_476, %exp3A_483 : vector<16xf32>
      %swap3A_485 = arith.constant 16 : index
      %swap3A_486 = tpu.vector_load %arg10[%swap3A_485] {strides = array<i32>} : memref<208xf32, #tpu.memory_space<vmem>>, vector<16xf32>,
      tpu.vector_store %arg10[%swap3A_485], %exp3A_483 {strides = array<i32>} : memref<208xf32, #tpu.memory_space<vmem>>, vector<16xf32>,
      %get3A_487 = arith.constant 32 : index
      %get3A_488 = tpu.vector_load %arg10[%get3A_487] {strides = array<i32>} : memref<208xf32, #tpu.memory_space<vmem>>, vector<16xf32>,
      %sub3A_489 = vector.broadcast %reduce_max3A_468 : f32 to vector<16xf32>
      %sub3A_490 = arith.subf %get3A_488, %sub3A_489 : vector<16xf32>
      %exp3A_491 = math.exp %sub3A_490 : vector<16xf32>
      %add3A_492 = arith.addf %add3A_484, %exp3A_491 : vector<16xf32>
      %swap3A_493 = arith.constant 32 : index
      %swap3A_494 = tpu.vector_load %arg10[%swap3A_493] {strides = array<i32>} : memref<208xf32, #tpu.memory_space<vmem>>, vector<16xf32>,
      tpu.vector_store %arg10[%swap3A_493], %exp3A_491 {strides = array<i32>} : memref<208xf32, #tpu.memory_space<vmem>>, vector<16xf32>,
      %get3A_495 = arith.constant 48 : index
      %get3A_496 = tpu.vector_load %arg10[%get3A_495] {strides = array<i32>} : memref<208xf32, #tpu.memory_space<vmem>>, vector<16xf32>,
      %sub3A_497 = vector.broadcast %reduce_max3A_468 : f32 to vector<16xf32>
      %sub3A_498 = arith.subf %get3A_496, %sub3A_497 : vector<16xf32>
      %exp3A_499 = math.exp %sub3A_498 : vector<16xf32>
      %add3A_500 = arith.addf %add3A_492, %exp3A_499 : vector<16xf32>
      %swap3A_501 = arith.constant 48 : index
      %swap3A_502 = tpu.vector_load %arg10[%swap3A_501] {strides = array<i32>} : memref<208xf32, #tpu.memory_space<vmem>>, vector<16xf32>,
      tpu.vector_store %arg10[%swap3A_501], %exp3A_499 {strides = array<i32>} : memref<208xf32, #tpu.memory_space<vmem>>, vector<16xf32>,
      %get3A_503 = arith.constant 64 : index
      %get3A_504 = tpu.vector_load %arg10[%get3A_503] {strides = array<i32>} : memref<208xf32, #tpu.memory_space<vmem>>, vector<16xf32>,
      %sub3A_505 = vector.broadcast %reduce_max3A_468 : f32 to vector<16xf32>
      %sub3A_506 = arith.subf %get3A_504, %sub3A_505 : vector<16xf32>
      %exp3A_507 = math.exp %sub3A_506 : vector<16xf32>
      %add3A_508 = arith.addf %add3A_500, %exp3A_507 : vector<16xf32>
      %swap3A_509 = arith.constant 64 : index
      %swap3A_510 = tpu.vector_load %arg10[%swap3A_509] {strides = array<i32>} : memref<208xf32, #tpu.memory_space<vmem>>, vector<16xf32>,
      tpu.vector_store %arg10[%swap3A_509], %exp3A_507 {strides = array<i32>} : memref<208xf32, #tpu.memory_space<vmem>>, vector<16xf32>,
      %get3A_511 = arith.constant 80 : index
      %get3A_512 = tpu.vector_load %arg10[%get3A_511] {strides = array<i32>} : memref<208xf32, #tpu.memory_space<vmem>>, vector<16xf32>,
      %sub3A_513 = vector.broadcast %reduce_max3A_468 : f32 to vector<16xf32>
      %sub3A_514 = arith.subf %get3A_512, %sub3A_513 : vector<16xf32>
      %exp3A_515 = math.exp %sub3A_514 : vector<16xf32>
      %add3A_516 = arith.addf %add3A_508, %exp3A_515 : vector<16xf32>
      %swap3A_517 = arith.constant 80 : index
      %swap3A_518 = tpu.vector_load %arg10[%swap3A_517] {strides = array<i32>} : memref<208xf32, #tpu.memory_space<vmem>>, vector<16xf32>,
      tpu.vector_store %arg10[%swap3A_517], %exp3A_515 {strides = array<i32>} : memref<208xf32, #tpu.memory_space<vmem>>, vector<16xf32>,
      %get3A_519 = arith.constant 96 : index
      %get3A_520 = tpu.vector_load %arg10[%get3A_519] {strides = array<i32>} : memref<208xf32, #tpu.memory_space<vmem>>, vector<16xf32>,
      %sub3A_521 = vector.broadcast %reduce_max3A_468 : f32 to vector<16xf32>
      %sub3A_522 = arith.subf %get3A_520, %sub3A_521 : vector<16xf32>
      %exp3A_523 = math.exp %sub3A_522 : vector<16xf32>
      %add3A_524 = arith.addf %add3A_516, %exp3A_523 : vector<16xf32>
      %swap3A_525 = arith.constant 96 : index
      %swap3A_526 = tpu.vector_load %arg10[%swap3A_525] {strides = array<i32>} : memref<208xf32, #tpu.memory_space<vmem>>, vector<16xf32>,
      tpu.vector_store %arg10[%swap3A_525], %exp3A_523 {strides = array<i32>} : memref<208xf32, #tpu.memory_space<vmem>>, vector<16xf32>,
      %get3A_527 = arith.constant 112 : index
      %get3A_528 = tpu.vector_load %arg10[%get3A_527] {strides = array<i32>} : memref<208xf32, #tpu.memory_space<vmem>>, vector<16xf32>,
      %sub3A_529 = vector.broadcast %reduce_max3A_468 : f32 to vector<16xf32>
      %sub3A_530 = arith.subf %get3A_528, %sub3A_529 : vector<16xf32>
      %exp3A_531 = math.exp %sub3A_530 : vector<16xf32>
      %add3A_532 = arith.addf %add3A_524, %exp3A_531 : vector<16xf32>
      %swap3A_533 = arith.constant 112 : index
      %swap3A_534 = tpu.vector_load %arg10[%swap3A_533] {strides = array<i32>} : memref<208xf32, #tpu.memory_space<vmem>>, vector<16xf32>,
      tpu.vector_store %arg10[%swap3A_533], %exp3A_531 {strides = array<i32>} : memref<208xf32, #tpu.memory_space<vmem>>, vector<16xf32>,
      %get3A_535 = arith.constant 128 : index
      %get3A_536 = tpu.vector_load %arg10[%get3A_535] {strides = array<i32>} : memref<208xf32, #tpu.memory_space<vmem>>, vector<16xf32>,
      %sub3A_537 = vector.broadcast %reduce_max3A_468 : f32 to vector<16xf32>
      %sub3A_538 = arith.subf %get3A_536, %sub3A_537 : vector<16xf32>
      %exp3A_539 = math.exp %sub3A_538 : vector<16xf32>
      %add3A_540 = arith.addf %add3A_532, %exp3A_539 : vector<16xf32>
      %swap3A_541 = arith.constant 128 : index
      %swap3A_542 = tpu.vector_load %arg10[%swap3A_541] {strides = array<i32>} : memref<208xf32, #tpu.memory_space<vmem>>, vector<16xf32>,
      tpu.vector_store %arg10[%swap3A_541], %exp3A_539 {strides = array<i32>} : memref<208xf32, #tpu.memory_space<vmem>>, vector<16xf32>,
      %get3A_543 = arith.constant 144 : index
      %get3A_544 = tpu.vector_load %arg10[%get3A_543] {strides = array<i32>} : memref<208xf32, #tpu.memory_space<vmem>>, vector<16xf32>,
      %sub3A_545 = vector.broadcast %reduce_max3A_468 : f32 to vector<16xf32>
      %sub3A_546 = arith.subf %get3A_544, %sub3A_545 : vector<16xf32>
      %exp3A_547 = math.exp %sub3A_546 : vector<16xf32>
      %add3A_548 = arith.addf %add3A_540, %exp3A_547 : vector<16xf32>
      %swap3A_549 = arith.constant 144 : index
      %swap3A_550 = tpu.vector_load %arg10[%swap3A_549] {strides = array<i32>} : memref<208xf32, #tpu.memory_space<vmem>>, vector<16xf32>,
      tpu.vector_store %arg10[%swap3A_549], %exp3A_547 {strides = array<i32>} : memref<208xf32, #tpu.memory_space<vmem>>, vector<16xf32>,
      %get3A_551 = arith.constant 160 : index
      %get3A_552 = tpu.vector_load %arg10[%get3A_551] {strides = array<i32>} : memref<208xf32, #tpu.memory_space<vmem>>, vector<16xf32>,
      %sub3A_553 = vector.broadcast %reduce_max3A_468 : f32 to vector<16xf32>
      %sub3A_554 = arith.subf %get3A_552, %sub3A_553 : vector<16xf32>
      %exp3A_555 = math.exp %sub3A_554 : vector<16xf32>
      %add3A_556 = arith.addf %add3A_548, %exp3A_555 : vector<16xf32>
      %swap3A_557 = arith.constant 160 : index
      %swap3A_558 = tpu.vector_load %arg10[%swap3A_557] {strides = array<i32>} : memref<208xf32, #tpu.memory_space<vmem>>, vector<16xf32>,
      tpu.vector_store %arg10[%swap3A_557], %exp3A_555 {strides = array<i32>} : memref<208xf32, #tpu.memory_space<vmem>>, vector<16xf32>,
      %get3A_559 = arith.constant 176 : index
      %get3A_560 = tpu.vector_load %arg10[%get3A_559] {strides = array<i32>} : memref<208xf32, #tpu.memory_space<vmem>>, vector<16xf32>,
      %sub3A_561 = vector.broadcast %reduce_max3A_468 : f32 to vector<16xf32>
      %sub3A_562 = arith.subf %get3A_560, %sub3A_561 : vector<16xf32>
      %exp3A_563 = math.exp %sub3A_562 : vector<16xf32>
      %add3A_564 = arith.addf %add3A_556, %exp3A_563 : vector<16xf32>
      %swap3A_565 = arith.constant 176 : index
      %swap3A_566 = tpu.vector_load %arg10[%swap3A_565] {strides = array<i32>} : memref<208xf32, #tpu.memory_space<vmem>>, vector<16xf32>,
      tpu.vector_store %arg10[%swap3A_565], %exp3A_563 {strides = array<i32>} : memref<208xf32, #tpu.memory_space<vmem>>, vector<16xf32>,
      %get3A_567 = arith.constant 192 : index
      %get3A_568 = tpu.vector_load %arg10[%get3A_567] {strides = array<i32>} : memref<208xf32, #tpu.memory_space<vmem>>, vector<16xf32>,
      %sub3A_569 = vector.broadcast %reduce_max3A_468 : f32 to vector<16xf32>
      %sub3A_570 = arith.subf %get3A_568, %sub3A_569 : vector<16xf32>
      %exp3A_571 = math.exp %sub3A_570 : vector<16xf32>
      %add3A_572 = arith.addf %add3A_564, %exp3A_571 : vector<16xf32>
      %swap3A_573 = arith.constant 192 : index
      %swap3A_574 = tpu.vector_load %arg10[%swap3A_573] {strides = array<i32>} : memref<208xf32, #tpu.memory_space<vmem>>, vector<16xf32>,
      tpu.vector_store %arg10[%swap3A_573], %exp3A_571 {strides = array<i32>} : memref<208xf32, #tpu.memory_space<vmem>>, vector<16xf32>,
      %reduce_sum3A_575 = arith.constant true
      %reduce_sum3A_576 = vector.broadcast %reduce_sum3A_575 : i1 to vector<16xi1>
      %reduce_sum3A_577 = tpu.scan <sum>, %add3A_572 masked %reduce_sum3A_576 : vector<16xf32>, vector<16xi1> -> vector<16xf32>
      %reduce_sum3A_578 = vector.extract %reduce_sum3A_577[15] : f32 from vector<16xf32>
      %dma_wait3A_579 = arith.constant 0 : i32
      %dma_wait3A_580 = arith.constant 0 : i32
      %dma_wait3A_581 = arith.constant 0 : i32
      %dma_wait3A_582 = tpu.memref_slice %arg12[%dma_wait3A_580, %dma_wait3A_581] : memref<200x128xf32, #tpu.memory_space<vmem>> -> memref<100x128xf32, #tpu.memory_space<vmem>>
      %dma_wait3A_583 = arith.constant 0 : i32
      %dma_wait3A_584 = tpu.memref_slice %arg9[%add3A_364, %dma_wait3A_579, %dma_wait3A_583] : memref<128x2x100xi32, #tpu.memory_space<vmem>> -> memref<1x1x100xi32, #tpu.memory_space<vmem>>
      %dma_wait3A_585 = tpu.memref_squeeze %dma_wait3A_584 : memref<1x1x100xi32, #tpu.memory_space<vmem>> -> memref<100xi32, #tpu.memory_space<vmem>>
      %dma_wait3A_586 = arith.constant 0 : i32
      %dma_wait3A_587 = arith.constant 0 : i32
      %dma_wait3A_588 = tpu.memref_slice %arg4[%dma_wait3A_586, %dma_wait3A_587] : memref<100001x128xf32, #tpu.memory_space<hbm>> -> memref<100001x128xf32, #tpu.memory_space<hbm>>
      tpu.wait_indirect_dma semaphore(%arg16 : memref<!tpu.dma_semaphore, #tpu.memory_space<semaphore_mem>>) src(%dma_wait3A_588 : memref<100001x128xf32, #tpu.memory_space<hbm>>) dst(%dma_wait3A_582 : memref<100x128xf32, #tpu.memory_space<vmem>>)
      %dma_wait3A_589 = arith.constant 1 : i32
      %dma_wait3A_590 = arith.constant 100 : i32
      %dma_wait3A_591 = arith.constant 0 : i32
      %dma_wait3A_592 = tpu.memref_slice %arg12[%dma_wait3A_590, %dma_wait3A_591] : memref<200x128xf32, #tpu.memory_space<vmem>> -> memref<100x128xf32, #tpu.memory_space<vmem>>
      %dma_wait3A_593 = arith.constant 0 : i32
      %dma_wait3A_594 = tpu.memref_slice %arg9[%add3A_364, %dma_wait3A_589, %dma_wait3A_593] : memref<128x2x100xi32, #tpu.memory_space<vmem>> -> memref<1x1x100xi32, #tpu.memory_space<vmem>>
      %dma_wait3A_595 = tpu.memref_squeeze %dma_wait3A_594 : memref<1x1x100xi32, #tpu.memory_space<vmem>> -> memref<100xi32, #tpu.memory_space<vmem>>
      %dma_wait3A_596 = arith.constant 0 : i32
      %dma_wait3A_597 = arith.constant 0 : i32
      %dma_wait3A_598 = tpu.memref_slice %arg4[%dma_wait3A_596, %dma_wait3A_597] : memref<100001x128xf32, #tpu.memory_space<hbm>> -> memref<100001x128xf32, #tpu.memory_space<hbm>>
      tpu.wait_indirect_dma semaphore(%arg16 : memref<!tpu.dma_semaphore, #tpu.memory_space<semaphore_mem>>) src(%dma_wait3A_598 : memref<100001x128xf32, #tpu.memory_space<hbm>>) dst(%dma_wait3A_592 : memref<100x128xf32, #tpu.memory_space<vmem>>)
      %gt3A_599 = arith.constant 0 : i32
      %gt3A_600 = arith.cmpi sgt, %scan3A_69, %gt3A_599 : i32
      %convert_element_type3A_601 = arith.extui %gt3A_600 : i1 to i32
      %cond3A_602 = arith.constant 0 : i32
      %cond3A_603 = arith.cmpi ne, %convert_element_type3A_601, %cond3A_602 : i32
      scf.if %cond3A_603 {
        %add3A_670 = arith.addi %mul3A_2, %add3A_364 : i32
        %sub3A_671 = arith.constant 2 : i32
        %sub3A_672 = arith.subi %add3A_670, %sub3A_671 : i32
        %dma_wait3A_673 = arith.constant 0 : i32
        %dma_wait3A_674 = tpu.memref_slice %arg6[%sub3A_672, %dma_wait3A_673] : memref<4096x128xf32, #tpu.memory_space<hbm>> -> memref<1x128xf32, #tpu.memory_space<hbm>>
        %dma_wait3A_675 = tpu.memref_squeeze %dma_wait3A_674 : memref<1x128xf32, #tpu.memory_space<hbm>> -> memref<128xf32, #tpu.memory_space<hbm>>
        %dma_wait3A_676 = arith.constant 0 : i32
        %dma_wait3A_677 = tpu.memref_slice %arg6[%sub3A_672, %dma_wait3A_676] : memref<4096x128xf32, #tpu.memory_space<hbm>> -> memref<1x128xf32, #tpu.memory_space<hbm>>
        %dma_wait3A_678 = tpu.memref_squeeze %dma_wait3A_677 : memref<1x128xf32, #tpu.memory_space<hbm>> -> memref<128xf32, #tpu.memory_space<hbm>>
        tpu.wait_dma2 semaphore(%arg18 : memref<!tpu.dma_semaphore, #tpu.memory_space<semaphore_mem>>) src(%arg14 : memref<128xf32, #tpu.memory_space<vmem>>) dst(%dma_wait3A_678 : memref<128xf32, #tpu.memory_space<hbm>>)
      } else {
      }
      %broadcast_in_dim3A_604 = arith.constant 0.000000e+00 : f32
      %broadcast_in_dim3A_605 = vector.broadcast %broadcast_in_dim3A_604 : f32 to vector<16xf32>
      %broadcast_in_dim3A_606 = arith.constant 0.000000e+00 : f32
      %broadcast_in_dim3A_607 = vector.broadcast %broadcast_in_dim3A_606 : f32 to vector<16xf32>
      %broadcast_in_dim3A_608 = arith.constant 0.000000e+00 : f32
      %broadcast_in_dim3A_609 = vector.broadcast %broadcast_in_dim3A_608 : f32 to vector<16xf32>
      %broadcast_in_dim3A_610 = arith.constant 0.000000e+00 : f32
      %broadcast_in_dim3A_611 = vector.broadcast %broadcast_in_dim3A_610 : f32 to vector<16xf32>
      %broadcast_in_dim3A_612 = arith.constant 0.000000e+00 : f32
      %broadcast_in_dim3A_613 = vector.broadcast %broadcast_in_dim3A_612 : f32 to vector<16xf32>
      %broadcast_in_dim3A_614 = arith.constant 0.000000e+00 : f32
      %broadcast_in_dim3A_615 = vector.broadcast %broadcast_in_dim3A_614 : f32 to vector<16xf32>
      %broadcast_in_dim3A_616 = arith.constant 0.000000e+00 : f32
      %broadcast_in_dim3A_617 = vector.broadcast %broadcast_in_dim3A_616 : f32 to vector<16xf32>
      %broadcast_in_dim3A_618 = arith.constant 0.000000e+00 : f32
      %broadcast_in_dim3A_619 = vector.broadcast %broadcast_in_dim3A_618 : f32 to vector<16xf32>
      %scan3A_620 = arith.constant 0 : i32
      %scan3A_621 = arith.constant 200 : i32
      %scan3A_622 = arith.addi %scan3A_620, %scan3A_621 : i32
      %scan3A_623 = arith.constant 1 : i32
      %scan3A_624:8 = scf.for %scan3A_670 = %scan3A_620 to %scan3A_622 step %scan3A_623 iter_args(%scan3A_671 = %broadcast_in_dim3A_605, %scan3A_672 = %broadcast_in_dim3A_607, %scan3A_673 = %broadcast_in_dim3A_609, %scan3A_674 = %broadcast_in_dim3A_611, %scan3A_675 = %broadcast_in_dim3A_613, %scan3A_676 = %broadcast_in_dim3A_615, %scan3A_677 = %broadcast_in_dim3A_617, %scan3A_678 = %broadcast_in_dim3A_619) -> (vector<16xf32>, vector<16xf32>, vector<16xf32>, vector<16xf32>, vector<16xf32>, vector<16xf32>, vector<16xf32>, vector<16xf32>)  : i32 {
        %broadcast_in_dim3A_679 = vector.broadcast %scan3A_670 : i32 to vector<16xi32>
        %gather3A_680 = tpu.vector_load_idx %arg10[%broadcast_in_dim3A_679] : memref<208xf32, #tpu.memory_space<vmem>>[vector<16xi32>], vector<16xf32>,
        %get3A_681 = arith.index_cast %scan3A_670 : i32 to index
        %get3A_682 = arith.constant 0 : index
        %get3A_683 = tpu.vector_load %arg12[%get3A_681, %get3A_682] {strides = array<i32>} : memref<200x128xf32, #tpu.memory_space<vmem>>, vector<16xf32>,
        %mul3A_684 = arith.mulf %gather3A_680, %get3A_683 : vector<16xf32>
        %add3A_685 = arith.addf %scan3A_671, %mul3A_684 : vector<16xf32>
        %get3A_686 = arith.index_cast %scan3A_670 : i32 to index
        %get3A_687 = arith.constant 16 : index
        %get3A_688 = tpu.vector_load %arg12[%get3A_686, %get3A_687] {strides = array<i32>} : memref<200x128xf32, #tpu.memory_space<vmem>>, vector<16xf32>,
        %mul3A_689 = arith.mulf %gather3A_680, %get3A_688 : vector<16xf32>
        %add3A_690 = arith.addf %scan3A_672, %mul3A_689 : vector<16xf32>
        %get3A_691 = arith.index_cast %scan3A_670 : i32 to index
        %get3A_692 = arith.constant 32 : index
        %get3A_693 = tpu.vector_load %arg12[%get3A_691, %get3A_692] {strides = array<i32>} : memref<200x128xf32, #tpu.memory_space<vmem>>, vector<16xf32>,
        %mul3A_694 = arith.mulf %gather3A_680, %get3A_693 : vector<16xf32>
        %add3A_695 = arith.addf %scan3A_673, %mul3A_694 : vector<16xf32>
        %get3A_696 = arith.index_cast %scan3A_670 : i32 to index
        %get3A_697 = arith.constant 48 : index
        %get3A_698 = tpu.vector_load %arg12[%get3A_696, %get3A_697] {strides = array<i32>} : memref<200x128xf32, #tpu.memory_space<vmem>>, vector<16xf32>,
        %mul3A_699 = arith.mulf %gather3A_680, %get3A_698 : vector<16xf32>
        %add3A_700 = arith.addf %scan3A_674, %mul3A_699 : vector<16xf32>
        %get3A_701 = arith.index_cast %scan3A_670 : i32 to index
        %get3A_702 = arith.constant 64 : index
        %get3A_703 = tpu.vector_load %arg12[%get3A_701, %get3A_702] {strides = array<i32>} : memref<200x128xf32, #tpu.memory_space<vmem>>, vector<16xf32>,
        %mul3A_704 = arith.mulf %gather3A_680, %get3A_703 : vector<16xf32>
        %add3A_705 = arith.addf %scan3A_675, %mul3A_704 : vector<16xf32>
        %get3A_706 = arith.index_cast %scan3A_670 : i32 to index
        %get3A_707 = arith.constant 80 : index
        %get3A_708 = tpu.vector_load %arg12[%get3A_706, %get3A_707] {strides = array<i32>} : memref<200x128xf32, #tpu.memory_space<vmem>>, vector<16xf32>,
        %mul3A_709 = arith.mulf %gather3A_680, %get3A_708 : vector<16xf32>
        %add3A_710 = arith.addf %scan3A_676, %mul3A_709 : vector<16xf32>
        %get3A_711 = arith.index_cast %scan3A_670 : i32 to index
        %get3A_712 = arith.constant 96 : index
        %get3A_713 = tpu.vector_load %arg12[%get3A_711, %get3A_712] {strides = array<i32>} : memref<200x128xf32, #tpu.memory_space<vmem>>, vector<16xf32>,
        %mul3A_714 = arith.mulf %gather3A_680, %get3A_713 : vector<16xf32>
        %add3A_715 = arith.addf %scan3A_677, %mul3A_714 : vector<16xf32>
        %get3A_716 = arith.index_cast %scan3A_670 : i32 to index
        %get3A_717 = arith.constant 112 : index
        %get3A_718 = tpu.vector_load %arg12[%get3A_716, %get3A_717] {strides = array<i32>} : memref<200x128xf32, #tpu.memory_space<vmem>>, vector<16xf32>,
        %mul3A_719 = arith.mulf %gather3A_680, %get3A_718 : vector<16xf32>
        %add3A_720 = arith.addf %scan3A_678, %mul3A_719 : vector<16xf32>
        scf.yield %add3A_685, %add3A_690, %add3A_695, %add3A_700, %add3A_705, %add3A_710, %add3A_715, %add3A_720 : vector<16xf32>, vector<16xf32>, vector<16xf32>, vector<16xf32>, vector<16xf32>, vector<16xf32>, vector<16xf32>, vector<16xf32>
      }
      %scan3A_625 = arith.constant 200 : i32
      %div3A_626 = vector.broadcast %reduce_sum3A_578 : f32 to vector<16xf32>
      %div3A_627 = arith.divf %scan3A_624#0, %div3A_626 : vector<16xf32>
      %swap3A_628 = arith.constant 0 : index
      %swap3A_629 = tpu.vector_load %arg14[%swap3A_628] {strides = array<i32>} : memref<128xf32, #tpu.memory_space<vmem>>, vector<16xf32>,
      tpu.vector_store %arg14[%swap3A_628], %div3A_627 {strides = array<i32>} : memref<128xf32, #tpu.memory_space<vmem>>, vector<16xf32>,
      %div3A_630 = vector.broadcast %reduce_sum3A_578 : f32 to vector<16xf32>
      %div3A_631 = arith.divf %scan3A_624#1, %div3A_630 : vector<16xf32>
      %swap3A_632 = arith.constant 16 : index
      %swap3A_633 = tpu.vector_load %arg14[%swap3A_632] {strides = array<i32>} : memref<128xf32, #tpu.memory_space<vmem>>, vector<16xf32>,
      tpu.vector_store %arg14[%swap3A_632], %div3A_631 {strides = array<i32>} : memref<128xf32, #tpu.memory_space<vmem>>, vector<16xf32>,
      %div3A_634 = vector.broadcast %reduce_sum3A_578 : f32 to vector<16xf32>
      %div3A_635 = arith.divf %scan3A_624#2, %div3A_634 : vector<16xf32>
      %swap3A_636 = arith.constant 32 : index
      %swap3A_637 = tpu.vector_load %arg14[%swap3A_636] {strides = array<i32>} : memref<128xf32, #tpu.memory_space<vmem>>, vector<16xf32>,
      tpu.vector_store %arg14[%swap3A_636], %div3A_635 {strides = array<i32>} : memref<128xf32, #tpu.memory_space<vmem>>, vector<16xf32>,
      %div3A_638 = vector.broadcast %reduce_sum3A_578 : f32 to vector<16xf32>
      %div3A_639 = arith.divf %scan3A_624#3, %div3A_638 : vector<16xf32>
      %swap3A_640 = arith.constant 48 : index
      %swap3A_641 = tpu.vector_load %arg14[%swap3A_640] {strides = array<i32>} : memref<128xf32, #tpu.memory_space<vmem>>, vector<16xf32>,
      tpu.vector_store %arg14[%swap3A_640], %div3A_639 {strides = array<i32>} : memref<128xf32, #tpu.memory_space<vmem>>, vector<16xf32>,
      %div3A_642 = vector.broadcast %reduce_sum3A_578 : f32 to vector<16xf32>
      %div3A_643 = arith.divf %scan3A_624#4, %div3A_642 : vector<16xf32>
      %swap3A_644 = arith.constant 64 : index
      %swap3A_645 = tpu.vector_load %arg14[%swap3A_644] {strides = array<i32>} : memref<128xf32, #tpu.memory_space<vmem>>, vector<16xf32>,
      tpu.vector_store %arg14[%swap3A_644], %div3A_643 {strides = array<i32>} : memref<128xf32, #tpu.memory_space<vmem>>, vector<16xf32>,
      %div3A_646 = vector.broadcast %reduce_sum3A_578 : f32 to vector<16xf32>
      %div3A_647 = arith.divf %scan3A_624#5, %div3A_646 : vector<16xf32>
      %swap3A_648 = arith.constant 80 : index
      %swap3A_649 = tpu.vector_load %arg14[%swap3A_648] {strides = array<i32>} : memref<128xf32, #tpu.memory_space<vmem>>, vector<16xf32>,
      tpu.vector_store %arg14[%swap3A_648], %div3A_647 {strides = array<i32>} : memref<128xf32, #tpu.memory_space<vmem>>, vector<16xf32>,
      %div3A_650 = vector.broadcast %reduce_sum3A_578 : f32 to vector<16xf32>
      %div3A_651 = arith.divf %scan3A_624#6, %div3A_650 : vector<16xf32>
      %swap3A_652 = arith.constant 96 : index
      %swap3A_653 = tpu.vector_load %arg14[%swap3A_652] {strides = array<i32>} : memref<128xf32, #tpu.memory_space<vmem>>, vector<16xf32>,
      tpu.vector_store %arg14[%swap3A_652], %div3A_651 {strides = array<i32>} : memref<128xf32, #tpu.memory_space<vmem>>, vector<16xf32>,
      %div3A_654 = vector.broadcast %reduce_sum3A_578 : f32 to vector<16xf32>
      %div3A_655 = arith.divf %scan3A_624#7, %div3A_654 : vector<16xf32>
      %swap3A_656 = arith.constant 112 : index
      %swap3A_657 = tpu.vector_load %arg14[%swap3A_656] {strides = array<i32>} : memref<128xf32, #tpu.memory_space<vmem>>, vector<16xf32>,
      tpu.vector_store %arg14[%swap3A_656], %div3A_655 {strides = array<i32>} : memref<128xf32, #tpu.memory_space<vmem>>, vector<16xf32>,
      %add3A_658 = arith.addi %mul3A_2, %add3A_364 : i32
      %dma_start3A_659 = arith.constant 0 : i32
      %dma_start3A_660 = tpu.memref_slice %arg6[%add3A_658, %dma_start3A_659] : memref<4096x128xf32, #tpu.memory_space<hbm>> -> memref<1x128xf32, #tpu.memory_space<hbm>>
      %dma_start3A_661 = tpu.memref_squeeze %dma_start3A_660 : memref<1x128xf32, #tpu.memory_space<hbm>> -> memref<128xf32, #tpu.memory_space<hbm>>
      %dma_start3A_662 = arith.constant 0 : i32
      %dma_start3A_663 = tpu.memref_slice %arg6[%add3A_658, %dma_start3A_662] : memref<4096x128xf32, #tpu.memory_space<hbm>> -> memref<1x128xf32, #tpu.memory_space<hbm>>
      %dma_start3A_664 = tpu.memref_squeeze %dma_start3A_663 : memref<1x128xf32, #tpu.memory_space<hbm>> -> memref<128xf32, #tpu.memory_space<hbm>>
      tpu.enqueue_dma source(%arg14 : memref<128xf32, #tpu.memory_space<vmem>>) target(%dma_start3A_664 : memref<128xf32, #tpu.memory_space<hbm>>) target_semaphore(%arg18 : memref<!tpu.dma_semaphore, #tpu.memory_space<semaphore_mem>>)
      %lt3A_665 = arith.constant 63 : i32
      %lt3A_666 = arith.cmpi slt, %scan3A_69, %lt3A_665 : i32
      %convert_element_type3A_667 = arith.extui %lt3A_666 : i1 to i32
      %cond3A_668 = arith.constant 0 : i32
      %cond3A_669 = arith.cmpi ne, %convert_element_type3A_667, %cond3A_668 : i32
      scf.if %cond3A_669 {
        %add3A_670 = arith.constant 2 : i32
        %add3A_671 = arith.addi %add3A_364, %add3A_670 : i32
        %dma_start3A_672 = arith.constant 0 : i32
        %dma_start3A_673 = arith.constant 0 : i32
        %dma_start3A_674 = arith.constant 0 : i32
        %dma_start3A_675 = tpu.memref_slice %arg12[%dma_start3A_673, %dma_start3A_674] : memref<200x128xf32, #tpu.memory_space<vmem>> -> memref<100x128xf32, #tpu.memory_space<vmem>>
        %dma_start3A_676 = arith.constant 0 : i32
        %dma_start3A_677 = tpu.memref_slice %arg9[%add3A_671, %dma_start3A_672, %dma_start3A_676] : memref<128x2x100xi32, #tpu.memory_space<vmem>> -> memref<1x1x100xi32, #tpu.memory_space<vmem>>
        %dma_start3A_678 = tpu.memref_squeeze %dma_start3A_677 : memref<1x1x100xi32, #tpu.memory_space<vmem>> -> memref<100xi32, #tpu.memory_space<vmem>>
        %dma_start3A_679 = arith.constant 0 : i32
        %dma_start3A_680 = arith.constant 0 : i32
        %dma_start3A_681 = tpu.memref_slice %arg4[%dma_start3A_679, %dma_start3A_680] : memref<100001x128xf32, #tpu.memory_space<hbm>> -> memref<100001x128xf32, #tpu.memory_space<hbm>>
        tpu.enqueue_indirect_dma source(%dma_start3A_681 : memref<100001x128xf32, #tpu.memory_space<hbm>>) target(%dma_start3A_675 : memref<100x128xf32, #tpu.memory_space<vmem>>) offsets(%dma_start3A_678 : memref<100xi32, #tpu.memory_space<vmem>>) semaphore(%arg16 : memref<!tpu.dma_semaphore, #tpu.memory_space<semaphore_mem>>)
        %dma_start3A_682 = arith.constant 1 : i32
        %dma_start3A_683 = arith.constant 100 : i32
        %dma_start3A_684 = arith.constant 0 : i32
        %dma_start3A_685 = tpu.memref_slice %arg12[%dma_start3A_683, %dma_start3A_684] : memref<200x128xf32, #tpu.memory_space<vmem>> -> memref<100x128xf32, #tpu.memory_space<vmem>>
        %dma_start3A_686 = arith.constant 0 : i32
        %dma_start3A_687 = tpu.memref_slice %arg9[%add3A_671, %dma_start3A_682, %dma_start3A_686] : memref<128x2x100xi32, #tpu.memory_space<vmem>> -> memref<1x1x100xi32, #tpu.memory_space<vmem>>
        %dma_start3A_688 = tpu.memref_squeeze %dma_start3A_687 : memref<1x1x100xi32, #tpu.memory_space<vmem>> -> memref<100xi32, #tpu.memory_space<vmem>>
        %dma_start3A_689 = arith.constant 0 : i32
        %dma_start3A_690 = arith.constant 0 : i32
        %dma_start3A_691 = tpu.memref_slice %arg4[%dma_start3A_689, %dma_start3A_690] : memref<100001x128xf32, #tpu.memory_space<hbm>> -> memref<100001x128xf32, #tpu.memory_space<hbm>>
        tpu.enqueue_indirect_dma source(%dma_start3A_691 : memref<100001x128xf32, #tpu.memory_space<hbm>>) target(%dma_start3A_685 : memref<100x128xf32, #tpu.memory_space<vmem>>) offsets(%dma_start3A_688 : memref<100xi32, #tpu.memory_space<vmem>>) semaphore(%arg16 : memref<!tpu.dma_semaphore, #tpu.memory_space<semaphore_mem>>)
      } else {
      }
    }
    %scan3A_50 = arith.constant 64 : i32
    %add3A_51 = arith.constant 128 : i32
    %add3A_52 = arith.addi %mul3A_2, %add3A_51 : i32
    %sub3A = arith.constant 2 : i32
    %sub3A_53 = arith.subi %add3A_52, %sub3A : i32
    %dma_wait3A = arith.constant 0 : i32
    %dma_wait3A_54 = tpu.memref_slice %arg6[%sub3A_53, %dma_wait3A] : memref<4096x128xf32, #tpu.memory_space<hbm>> -> memref<1x128xf32, #tpu.memory_space<hbm>>
    %dma_wait3A_55 = tpu.memref_squeeze %dma_wait3A_54 : memref<1x128xf32, #tpu.memory_space<hbm>> -> memref<128xf32, #tpu.memory_space<hbm>>
    %dma_wait3A_56 = arith.constant 0 : i32
    %dma_wait3A_57 = tpu.memref_slice %arg6[%sub3A_53, %dma_wait3A_56] : memref<4096x128xf32, #tpu.memory_space<hbm>> -> memref<1x128xf32, #tpu.memory_space<hbm>>
    %dma_wait3A_58 = tpu.memref_squeeze %dma_wait3A_57 : memref<1x128xf32, #tpu.memory_space<hbm>> -> memref<128xf32, #tpu.memory_space<hbm>>
    tpu.wait_dma2 semaphore(%arg17 : memref<!tpu.dma_semaphore, #tpu.memory_space<semaphore_mem>>) src(%arg13 : memref<128xf32, #tpu.memory_space<vmem>>) dst(%dma_wait3A_58 : memref<128xf32, #tpu.memory_space<hbm>>)
    %add3A_59 = arith.constant 128 : i32
    %add3A_60 = arith.addi %mul3A_2, %add3A_59 : i32
    %sub3A_61 = arith.constant 1 : i32
    %sub3A_62 = arith.subi %add3A_60, %sub3A_61 : i32
    %dma_wait3A_63 = arith.constant 0 : i32
    %dma_wait3A_64 = tpu.memref_slice %arg6[%sub3A_62, %dma_wait3A_63] : memref<4096x128xf32, #tpu.memory_space<hbm>> -> memref<1x128xf32, #tpu.memory_space<hbm>>
    %dma_wait3A_65 = tpu.memref_squeeze %dma_wait3A_64 : memref<1x128xf32, #tpu.memory_space<hbm>> -> memref<128xf32, #tpu.memory_space<hbm>>
    %dma_wait3A_66 = arith.constant 0 : i32
    %dma_wait3A_67 = tpu.memref_slice %arg6[%sub3A_62, %dma_wait3A_66] : memref<4096x128xf32, #tpu.memory_space<hbm>> -> memref<1x128xf32, #tpu.memory_space<hbm>>
    %dma_wait3A_68 = tpu.memref_squeeze %dma_wait3A_67 : memref<1x128xf32, #tpu.memory_space<hbm>> -> memref<128xf32, #tpu.memory_space<hbm>>
    tpu.wait_dma2 semaphore(%arg18 : memref<!tpu.dma_semaphore, #tpu.memory_space<semaphore_mem>>) src(%arg14 : memref<128xf32, #tpu.memory_space<vmem>>) dst(%dma_wait3A_68 : memref<128xf32, #tpu.memory_space<hbm>>)
    return
  }
}

</mosaic_0001>

<sc_bundles>
// kernel: kernel.3.cloned.1.call-start
scs
__scs_entry_jumppad:
0x0: {  	(pc) =	sbr.rel $0x88, $3  }
0x1: {  	(tag) =	ssettag $0x0;
	lr =	simm.s32 $0x1  }
0x2: {  	[smem:$0x3F9D] =	sst lr;
	_ =	strace $0xD0000000  }
0x3: {  	_ = 	snop  }
0x4: {  	_ = 	snop  }
0x5: {  	_ = 	snop  }
0x6: {  	_ = 	snop  }
0x7: {  	_ = 	snop  }
__scs_overlays_trampoline_lowered:
0x8: {  	[smem:$0x3FAC] =	sst s0  }
0x9: {  	[smem:$0x3FAD] =	sst s1  }
0xa: {  	[smem:$0x3FAE] =	sst s2  }
0xb: {  	[smem:$0x3FAF] =	sst s3  }
0xc: {  	[smem:$0x3FB0] =	sst s4  }
0xd: {  	[smem:$0x3FB1] =	sst s5  }
0xe: {  	[smem:$0x3FB2] =	sst s6  }
0xf: {  	[smem:$0x3FB3] =	sst s7  }
0x10: {  	[smem:$0x3FB4] =	sst s8  }
0x11: {  	[smem:$0x3FB5] =	sst s9;
	s0 =	simm.s32 @!p0 $0x0  }
0x12: {  	s1 =	sld [smem:$0x3F9B];
	s0 =	simm.s32 @p0 $0x1  }
0x13: {  	[smem:$0x3FB6] =	sst s0;
	s0 =	simm.s32 @!p1 $0x0  }
0x14: {  	s2 =	sld [smem:$0x3F9A];
	s0 =	simm.s32 @p1 $0x1  }
0x15: {  	[smem:$0x3FB7] =	sst s0;
	s0 =	simm.s32 @!p2 $0x0  }
0x16: {  	s3 =	sld [smem:$0x3FDB];
	s0 =	simm.s32 @p2 $0x1  }
0x17: {  	s4 =	simm.s32 $0x1BF5;
	[smem:$0x3FB9] =	sst s0  }
0x18: {  	s0 =	sld [smem:$0x3F9C];
	_ =	swait.ge [sflag:s4], $0x0  }
0x19: {  	s7 =	sld [smem:$0x3F9D]  }
0x1a: {  	s8 =	sadd.s32 $0xFFFFE003, lr  }
0x1b: {  	s9 =	sadd.s32 $0xFFFFFEF7, lr;
	s5 =	simm.s32 $0xFFFFFFFF;
	p2 =	slt.u32 s8, $0xFFFFF086  }
0x1c: {  	p1 =	slt.u32 s9, $0xF7A;
	s5 =	simm.s32 @!p2 $0x0  }
0x1d: {  	s5 =	simm.s32 @p1 $0x1;
	p0 =	seq.s32 s7, s2  }
0x1e: {  	s7 =	smul.u32 @!p0 $0xF7A, s2;
	p2 =	seq.s32 @!p0 s5, $0x0  }
0x1f: {  	s9 =	smul.u32 $0xF7A, s1;
	s8 =	simm.s32 @!p0 $0x1BF5;
	p2 =	por !p2, p0  }
0x20: {  	[sflag:s8] =	ssyncset.s32 @!p0 $0xFFFFF086;
	s6 =	sadd.s32 @!p0 s3, s7;
	s7 =	simm.s32 @!p0 $0x108  }
0x21: {  	s3 =	sadd.s32 s3, s9;
	s6 =	sadd.s32 @!p0 $0x88, s6;
	s7 =	simm.s32 @p2 $0x1082  }
0x22: {  	[simem:s7], [sflag:s8] =	dma.local @!p0 [hbm:s6], $0xF7A  }
0x23: {  	s9 =	sor.u32 $0xD0000000, s2;
	s6 =	simm.s32 $0x108;
	_ =	swait.ge @!p0 [sflag:s8], $0x0  }
0x24: {  	s3 =	sadd.s32 $0x88, s3;
	s6 =	simm.s32 @!p1 $0x1082;
	[sflag:s4] =	ssyncset.s32 $0xFFFFF086  }
0x25: {  	[simem:s6], [sflag:s4] =	dma.local [hbm:s3], $0xF7A  }
0x26: {  	[smem:$0x3F9D] =	sst s1;
	(tag) =	ssettag s2;
	_ =	strace s9  }
0x27: {  	s1 =	sld [smem:$0x3FAD]  }
0x28: {  	s2 =	sld [smem:$0x3FAE]  }
0x29: {  	s4 =	sld [smem:$0x3FB0]  }
0x2a: {  	p0 =	seq.s32 s5, $0x0;
	s5 =	sld [smem:$0x3FB1]  }
0x2b: {  	s6 =	sld [smem:$0x3FB2]  }
0x2c: {  	s7 =	sld [smem:$0x3FB3]  }
0x2d: {  	s3 =	simm.s32 $0x108;
	s8 =	sld [smem:$0x3FB4]  }
0x2e: {  	s3 =	simm.s32 @!p0 $0x1082;
	s9 =	sld [smem:$0x3FB5]  }
0x2f: {  	lr =	sadd.s32 s0, s3;
	s0 =	sld [smem:$0x3FAC]  }
0x30: {  	s3 =	sld [smem:$0x3FAF]  }
0x31: {  	[smem:$0x3FB8] =	sst s10  }
0x32: {  	s10 =	sld [smem:$0x3FB6];
	_ =	sdelay $0x3  }
0x33: {  	p0 =	seq.s32 s10, $0x1;
	s10 =	sld [smem:$0x3FB8];
	_ =	sdelay $0x3  }
0x34: {  	[smem:$0x3FB8] =	sst s10  }
0x35: {  	s10 =	sld [smem:$0x3FB7];
	_ =	sdelay $0x3  }
0x36: {  	p1 =	seq.s32 s10, $0x1;
	s10 =	sld [smem:$0x3FB8];
	_ =	sdelay $0x3  }
0x37: {  	[smem:$0x3FB8] =	sst s10  }
0x38: {  	s10 =	sld [smem:$0x3FB9]  }
0x39: {  	_ = 	snop;
	(pc) =	sbr.ind lr, $3  }
0x3a: {  	_ = 	snop  }
0x3b: {  	_ = 	snop  }
0x3c: {  	p2 =	seq.s32 s10, $0x1;
	s10 =	sld [smem:$0x3FB8]  }
0x3d: {  	_ =	shalt  }
0x3e: {  	_ =	shalt  }
0x3f: {  	_ =	shalt  }
0x40: {  	_ =	shalt  }
0x41: {  	_ =	shalt  }
0x42: {  	_ =	shalt  }
0x43: {  	_ =	shalt  }
0x44: {  	_ =	shalt  }
0x45: {  	_ =	shalt  }
0x46: {  	_ =	shalt  }
0x47: {  	_ =	shalt  }
0x48: {  	_ =	shalt  }
0x49: {  	_ =	shalt  }
0x4a: {  	_ =	shalt  }
0x4b: {  	_ =	shalt  }
0x4c: {  	_ =	shalt  }
0x4d: {  	_ =	shalt  }
0x4e: {  	_ =	shalt  }
0x4f: {  	_ =	shalt  }
0x50: {  	_ =	shalt  }
0x51: {  	_ =	shalt  }
0x52: {  	_ =	shalt  }
0x53: {  	_ =	shalt  }
0x54: {  	_ =	shalt  }
0x55: {  	_ =	shalt  }
0x56: {  	_ =	shalt  }
0x57: {  	_ =	shalt  }
0x58: {  	_ =	shalt  }
0x59: {  	_ =	shalt  }
0x5a: {  	_ =	shalt  }
0x5b: {  	_ =	shalt  }
0x5c: {  	_ =	shalt  }
0x5d: {  	_ =	shalt  }
0x5e: {  	_ =	shalt  }
0x5f: {  	_ =	shalt  }
0x60: {  	_ =	shalt  }
0x61: {  	_ =	shalt  }
0x62: {  	_ =	shalt  }
0x63: {  	_ =	shalt  }
0x64: {  	_ =	shalt  }
0x65: {  	_ =	shalt  }
0x66: {  	_ =	shalt  }
0x67: {  	_ =	shalt  }
0x68: {  	_ =	shalt  }
0x69: {  	_ =	shalt  }
0x6a: {  	_ =	shalt  }
0x6b: {  	_ =	shalt  }
0x6c: {  	_ =	shalt  }
0x6d: {  	_ =	shalt  }
0x6e: {  	_ =	shalt  }
0x6f: {  	_ =	shalt  }
0x70: {  	_ =	shalt  }
0x71: {  	_ =	shalt  }
0x72: {  	_ =	shalt  }
0x73: {  	_ =	shalt  }
0x74: {  	_ =	shalt  }
0x75: {  	_ =	shalt  }
0x76: {  	_ =	shalt  }
0x77: {  	_ =	shalt  }
0x78: {  	_ =	shalt  }
0x79: {  	_ =	shalt  }
0x7a: {  	_ =	shalt  }
0x7b: {  	_ =	shalt  }
0x7c: {  	_ =	shalt  }
0x7d: {  	_ =	shalt  }
0x7e: {  	_ =	shalt  }
0x7f: {  	_ =	shalt  }
0x80: {  	_ =	shalt  }
0x81: {  	_ =	shalt  }
0x82: {  	_ =	shalt  }
0x83: {  	_ =	shalt  }
0x84: {  	_ =	shalt  }
0x85: {  	_ =	shalt  }
0x86: {  	_ =	shalt  }
0x87: {  	_ =	shalt  }
.Lfunc_end0:
.L_simem_size_0:
called_computation_lowered:
.L_overlay_start_0:
0x88: {  	s2 =	sld [smem:$0x3FD9]  }
0x89: {  	s3 =	sld [smem:$0x3FFE];
	_ =	sdelay $0x1  }
0x8a: {  	s1 =	srdreg.scid  }
0x8b: {  	s0 =	sand.u32 $0x1, s1  }
0x8c: {  	s17 =	sshll.u32 s0, $0xA;
	s2 =	sadd.s32 s3, s2  }
0x8d: {  	s2 =	sadd.s32 s2, s17  }
0x8e: {  	[smem:$0x3FC4] =	sst s2  }
0x8f: {  	_ = 	snop  }
0x90: {  	s2 =	sld [smem:$0x3FC7]  }
0x91: {  	s18 =	sld [smem:$0x3FD0];
	(tm) =	ssettm $0x1  }
0x92: {  	s4 =	sld [smem:$0x3FFB];
	_ =	sdelay $0x3  }
0x93: {  	_ =	strace s4  }
0x94: {  	s4 =	sld [smem:$0x3FFC];
	_ =	sdelay $0x3  }
0x95: {  	_ =	strace s4  }
0x96: {  	s4 =	sld [smem:$0x3FFD];
	_ =	sdelay $0x3  }
0x97: {  	_ =	strace s4  }
0x98: {  	_ =	strace $0x8FFFFFFF  }
0x99: {  	s19 =	sld [smem:$0x3FDB];
	_ =	sdelay $0x1  }
0x9a: {  	s5 =	simm.s32 $_scs_section_size  }
0x9b: {  	s6 =	simm.s32 $_size__tile_overlayer_lowered;
	s7 =	simm.s32 $_tile_overlayer_lowered  }
0x9c: {  	s22 =	simm.s32 $0x1BFF;
	s21 =	sshll.u32 s7, $0x1;
	s4 =	sadd.s32 s5, s19  }
0x9d: {  	s8 =	simm.s32 $0x0;
	s20 =	sshll.u32 s6, $0x1;
	s6 =	sadd.s32 s21, s4  }
0x9e: {  	[timem:s8], [sflag:s22] =	dma.local [hbm:s6], s20  }
0x9f: {  	_ =	swait.ge [sflag:s22], s20  }
0xa0: {  	s5 =	ssub.s32 $0x0, s20;
	[sflag:s22] =	ssyncset.done $0x0  }
0xa1: {  	[sflag:s22] =	ssyncadd.s32 s5;
	_ =	sdelay $0x1  }
0xa2: {  	s23 =	simm.s32 $0x1B8B  }
0xa3: {  	_ =	swait.ge [sflag:s23], $0x1  }
0xa4: {  	[sflag:s23] =	ssyncset.done $0x0  }
0xa5: {  	s25 =	simm.s32 $0x1B8E;
	s24 =	sld [smem:$0x3FFE];
	[sflag:s23] =	ssyncadd.s32 $0xFFFFFFFF  }
0xa6: {  	s26 =	simm.s32 $execute0_lowered;
	[smem:$0x3FD2] =	sst s25  }
0xa7: {  	s6 =	sshll.u32 s26, $0x1;
	_ =	strace $0x80000046;
	[dreg:$0x1] =	wrdreg $0xFFFFFFFF  }
0xa8: {  	s28 =	simm.s32 $_size_execute0_lowered;
	s4 =	sadd.s32 s4, s6;
	[dreg:$0x0] =	wrdreg $0x0  }
0xa9: {  	s6 =	sshll.u32 s28, $0x1;
	[dreg:$0x2] =	wrdreg s4  }
0xaa: {  	[dreg:$0x3] =	wrdreg s6  }
0xab: {  	[dreg:$0x4] =	wrdreg $0xC0  }
0xac: {  	_ =	task [dreg:s8], $0x5FFFF  }
0xad: {  	[dreg:$0x1] =	wrdreg $0xFFFFFFFF  }
0xae: {  	[dreg:$0x0] =	wrdreg $0x60  }
0xaf: {  	[dreg:$0x2] =	wrdreg s24  }
0xb0: {  	[dreg:$0x3] =	wrdreg s2  }
0xb1: {  	[dreg:$0x4] =	wrdreg s18  }
0xb2: {  	[dreg:$0x5] =	wrdreg $0x9  }
0xb3: {  	_ =	task.clear_ibuf [dreg:s8], $0x6FFFF;
	_ =	strace $0x90000046  }
0xb4: {  	s29 =	simm.s32 $0x9;
	_ =	strace $0x80000048  }
0xb5: {  	_ =	swait.ge [sflag:s29], $0x1  }
0xb6: {  	[sflag:s29] =	ssyncadd.s32 $0xFFFFFFFF  }
0xb7: {  	_ =	strace $0x90000048  }
0xb8: {  	_ =	sfence  }
0xb9: {  	s30 =	sld [smem:$0x0];
	_ =	sdelay $0x2  }
0xba: {  	s31 =	sshll.u32 s1, $0xD;
	s1 =	sshrl.u32 s1, $0x2  }
0xbb: {  	s3 =	sand.u32 $0x4000, s31;
	s1 =	sadd.s32 s1, s30  }
0xbc: {  	s0 =	sor.u32 s3, s0;
	s1 =	sshll.u32 s1, $0x11  }
0xbd: {  	s0 =	sor.u32 s1, s0  }
0xbe: {  	s0 =	sadd.s32 $0x8F2B, s0  }
0xbf: {  	[sflag:s0] =	ssyncadd.remote.s32 $0x1  }
0xc0: {  	_ =	sfence.sel $0xFFFF  }
0xc1: {  	[dreg:$0x0] =	wrdreg $0xFFFFFFFF;
	(pc) =	sbr.abs _section_cstart, $3  }
0xc2: {  	[dreg:$0x1] =	wrdreg $0xFFFFFFFF  }
0xc3: {  	_ =	task.clear_ibuf [dreg:s8], $0x2FFFF;
	_ =	strace $0x9FFFFFFF  }
0xc4: {  	(tm) =	ssettm $0x7FFFFFFF  }
0xc5: {  	_ =	shalt  }
tec
execute0_lowered:
.L_overlay_start_1:
0x0: {  	(tag) =	ssettag $0x1  }
0x1: {  	s0 =	rddreg [dreg:$0x0];
	s1 =	srdreg.scid  }
0x2: {  	s2 =	rddreg [dreg:$0x1];
	s4 =	stileid.u32  }
0x3: {  	s3 =	rddreg [dreg:$0x2];
	s10 =	simm.s32 $0xA780;
	s11 =	simm.s32 $0x5  }
0x4: {  	s12 =	simm.s32 $0x64;
	s17 =	simm.s32 $0x18C80;
	s18 =	simm.s32 $0xA900  }
0x5: {  	s19 =	simm.s32 $0x1BE80;
	s20 =	simm.s32 $0x2780;
	s21 =	simm.s32 $0x1  }
0x6: {  	s22 =	simm.s32 $0x12780;
	s23 =	simm.s32 $0x1F080;
	s24 =	simm.s32 $0x2  }
0x7: {  	s25 =	simm.s32 $0x1F100;
	s26 =	simm.s32 $0x3;
	s28 =	simm.s32 $0x4  }
0x8: {  	s29 =	simm.s32 $0x0;
	s1 =	sand.u32 $0x1, s1;
	s6 =	sshll.u32 s4, $0x7  }
.Ltmp0:
0x9: {  	s4 =	simm.s32 $0x0;
	s5 =	sshll.u32 s1, $0xB;
	(pc) =	sbr.rel .LBB2_1-.Ltmp0, $4  }
0xa: {  	[smem:$0x7FF] =	sst s4;
	s1 =	ssub.s32 $0x2, s1;
	s5 =	sor.u32 s6, s5  }
0xb: {  	_ =	strace $0x80000047;
	s7 =	sshrl.u32 s1, $0x1;
	s6 =	sshll.u32 s5, $0x5  }
0xc: {  	s31 =	ssub.s32 s1, s7;
	s8 =	sadd.s32 s6, s0;
	s6 =	sadd.s32 $0x40400, s0  }
0xd: {  	vm0 =	vmmov $0xff;
	s9 =	smax.u32 s31, $0x1;
	s7 =	sadd.s32 $0x400, s8;
	s8 =	sadd.s32 $0x20400, s8  }
.LBB2_8:
0xe: {  	s29 =	sadd.s32 $0x1, s29  }
0xf: {  	_ =	swait.ge [sflag:s26], $0x80;
	p0 =	sne.s32 s29, s9  }
.Ltmp1:
0x10: {  	[sflag:s26] =	ssyncset.done $0x0;
	(pc) =	sbr.rel @!p0 .LBB2_9-.Ltmp1, $4  }
0x11: {  	[sflag:s26] =	ssyncadd.s32 $0xFFFFFF80  }
0x12: {  	_ =	swait.ge [sflag:s28], $0x80  }
0x13: {  	[sflag:s28] =	ssyncset.done $0x0  }
0x14: {  	[sflag:s28] =	ssyncadd.s32 $0xFFFFFF80  }
.LBB2_1:
0x15: {  	[tilespmem:s10], [sflag:$0x5] =	stream.linear.gather [hbm4b:s7+s4], $0x8000, $0x38;
	[tilespmem:$0x1F180] =	vst v63  }
0x16: {  	_ =	swait.ge [sflag:s11], $0x8000  }
0x17: {  	[sflag:s11] =	ssyncset.done $0x0  }
0x18: {  	s0 =	simm.s32 $0x12880;
	[sflag:s11] =	ssyncadd.s32 $0xFFFF8000  }
0x19: {  	[tilespmem:s0], [sflag:$0x1] =	stream.indirect.gather [hbm4b:s2+s12], $0x80, s10, s12, $0xb8;
	[tilespmem:$0x1F180] =	vst v63  }
0x1a: {  	s16 =	simm.s32 $0xA800;
	s1 =	simm.s32 $0x15A80  }
0x1b: {  	[tilespmem:s1], [sflag:$0x1] =	stream.indirect.gather [hbm4b:s2+s12], $0x80, s16, s12, $0xb8;
	[tilespmem:$0x1F180] =	vst v63  }
0x1c: {  	s31 =	simm.s32 $0xA880  }
0x1d: {  	[tilespmem:s17], [sflag:$0x2] =	stream.indirect.gather [hbm4b:s2+s12], $0x80, s31, s12, $0xb8;
	[tilespmem:$0x1F180] =	vst v63  }
0x1e: {  	_ = 	snop  }
0x1f: {  	[tilespmem:s19], [sflag:$0x2] =	stream.indirect.gather [hbm4b:s2+s12], $0x80, s18, s12, $0xb8;
	[tilespmem:$0x1F180] =	vst v63  }
0x20: {  	_ = 	snop  }
0x21: {  	[tilespmem:s20], [sflag:$0x5] =	stream.linear.gather [hbm4b:s8+s4], $0x8000, $0x38;
	[tilespmem:$0x1F180] =	vst v63  }
0x22: {  	_ =	swait.ge [sflag:s11], $0x8000  }
0x23: {  	[sflag:s11] =	ssyncset.done $0x0  }
0x24: {  	[sflag:s11] =	ssyncadd.s32 $0xFFFF8000  }
0x25: {  	[tilespmem:s4], [sflag:$0x5] =	stream.linear.gather [hbm4b:s6+s4], $0x2780, $0x38;
	[tilespmem:$0x1F180] =	vst v63  }
0x26: {  	_ =	swait.ge [sflag:s11], $0x2780  }
0x27: {  	[sflag:s11] =	ssyncset.done $0x0  }
0x28: {  	s30 =	simm.s32 $0x0;
	[sflag:s11] =	ssyncadd.s32 $0xFFFFD880  }
.LBB2_2:
0x29: {  	s31 =	sshll.u32 s30, $0x9  }
0x2a: {  	s1 =	sshll.u32 s30, $0x8;
	s0 =	sand.u32 $0x7800, s31  }
0x2b: {  	s13 =	sand.u32 $0x300, s1;
	s1 =	sadd.s32 $0x2780, s0  }
0x2c: {  	s0 =	sadd.s32 s13, s1  }
0x2d: {  	v0 =	vld [tilespmem:s0+$0x0];
	_ =	sdelay $0x7  }
0x2e: {  	v0 =	vld.idx.msk [tilespmem:v0+s4+$0x0], $0xffff;
	_ =	sdelay $0x4  }
0x2f: {  	[tilespmem:$0x12780] =	vst v0  }
0x30: {  	v1 =	vld [tilespmem:s0+$0x10];
	_ =	sdelay $0x7  }
0x31: {  	v1 =	vld.idx.msk [tilespmem:v1+s4+$0x0], $0xffff;
	_ =	sdelay $0x4  }
0x32: {  	[tilespmem:$0x12790] =	vst v1  }
0x33: {  	v2 =	vld [tilespmem:s0+$0x20];
	_ =	sdelay $0x7  }
0x34: {  	v2 =	vld.idx.msk [tilespmem:v2+s4+$0x0], $0xffff;
	_ =	sdelay $0x4  }
0x35: {  	[tilespmem:$0x127A0] =	vst v2  }
0x36: {  	v3 =	vld [tilespmem:s0+$0x30];
	_ =	sdelay $0x7  }
0x37: {  	v3 =	vld.idx.msk [tilespmem:v3+s4+$0x0], $0xffff;
	_ =	sdelay $0x4  }
0x38: {  	[tilespmem:$0x127B0] =	vst v3  }
0x39: {  	v4 =	vld [tilespmem:s0+$0x40];
	_ =	sdelay $0x7  }
0x3a: {  	v4 =	vld.idx.msk [tilespmem:v4+s4+$0x0], $0xffff;
	_ =	sdelay $0x4  }
0x3b: {  	[tilespmem:$0x127C0] =	vst v4  }
0x3c: {  	v5 =	vld [tilespmem:s0+$0x50];
	_ =	sdelay $0x7  }
0x3d: {  	v5 =	vld.idx.msk [tilespmem:v5+s4+$0x0], $0xffff;
	_ =	sdelay $0x4  }
0x3e: {  	[tilespmem:$0x127D0] =	vst v5  }
0x3f: {  	v6 =	vld [tilespmem:s0+$0x60];
	_ =	sdelay $0x7  }
0x40: {  	v6 =	vld.idx.msk [tilespmem:v6+s4+$0x0], $0xffff;
	_ =	sdelay $0x4  }
0x41: {  	[tilespmem:$0x127E0] =	vst v6  }
0x42: {  	v7 =	vld [tilespmem:s0+$0x70];
	_ =	sdelay $0x7  }
0x43: {  	v7 =	vld.idx.msk [tilespmem:v7+s4+$0x0], $0xffff;
	_ =	sdelay $0x4  }
0x44: {  	[tilespmem:$0x127F0] =	vst v7  }
0x45: {  	v8 =	vld [tilespmem:s0+$0x400];
	_ =	sdelay $0x7  }
0x46: {  	v8 =	vld.idx.msk [tilespmem:v8+s4+$0x0], $0xffff;
	_ =	sdelay $0x4  }
0x47: {  	[tilespmem:$0x12800] =	vst v8  }
0x48: {  	v9 =	vld [tilespmem:s0+$0x410];
	_ =	sdelay $0x7  }
0x49: {  	v9 =	vld.idx.msk [tilespmem:v9+s4+$0x0], $0xffff;
	_ =	sdelay $0x4  }
0x4a: {  	[tilespmem:$0x12810] =	vst v9  }
0x4b: {  	v10 =	vld [tilespmem:s0+$0x420];
	_ =	sdelay $0x7  }
0x4c: {  	v10 =	vld.idx.msk [tilespmem:v10+s4+$0x0], $0xffff;
	_ =	sdelay $0x4  }
0x4d: {  	[tilespmem:$0x12820] =	vst v10  }
0x4e: {  	v11 =	vld [tilespmem:s0+$0x430];
	_ =	sdelay $0x7  }
0x4f: {  	v11 =	vld.idx.msk [tilespmem:v11+s4+$0x0], $0xffff;
	_ =	sdelay $0x4  }
0x50: {  	[tilespmem:$0x12830] =	vst v11  }
0x51: {  	v12 =	vld [tilespmem:s0+$0x440];
	_ =	sdelay $0x1  }
0x52: {  	v13 =	vmax.f32 v0, $-3.000000010e+38  }
0x53: {  	v13 =	vmax.f32 v13, v1  }
0x54: {  	v13 =	vmax.f32 v13, v2  }
0x55: {  	v13 =	vmax.f32 v13, v3  }
0x56: {  	v13 =	vmax.f32 v13, v4  }
0x57: {  	v13 =	vmax.f32 v13, v5  }
0x58: {  	v13 =	vmax.f32 v13, v6;
	v12 =	vld.idx.msk [tilespmem:v12+s4+$0x0], $0xffff  }
0x59: {  	v13 =	vmax.f32 v13, v7  }
0x5a: {  	v13 =	vmax.f32 v13, v8  }
0x5b: {  	v13 =	vmax.f32 v13, v9  }
0x5c: {  	v13 =	vmax.f32 v13, v10  }
0x5d: {  	v13 =	vmax.f32 v13, v11;
	v12 =	vnsel vm0, $0xFF61B1E6, v12  }
0x5e: {  	v13 =	vmax.f32 v13, v12  }
0x5f: {  	(xrf0) =	vmax.scan.msk.f32 $0xffff, v13;
	_ =	sdelay $0x5  }
0x60: {  	v13, _, _ =	vpop (xrf0)  }
0x61: {  	v13 =	vbroadcast v13, $0xF;
	_ =	sdelay $0x1  }
0x62: {  	v0 =	vsub.f32 v0, v13;
	_ =	sdelay $0x1  }
0x63: {  	v1 =	vsub.f32 v1, v13;
	v0 =	vmul.f32 $1.442695020e+00, v0;
	_ =	sdelay $0x1  }
0x64: {  	(erf) = vpow2.f32 v0;
	v0 =	vmul.f32 $1.442695020e+00, v1;
	v1 =	vsub.f32 v2, v13;
	_ =	sdelay $0x1  }
0x65: {  	(erf) = vpow2.f32 v0;
	v0 =	vmul.f32 $1.442695020e+00, v1;
	v1 =	vsub.f32 v3, v13;
	_ =	sdelay $0x1  }
0x66: {  	(erf) = vpow2.f32 v0;
	v0 =	vmul.f32 $1.442695020e+00, v1;
	v1 =	vsub.f32 v4, v13;
	_ =	sdelay $0x1  }
0x67: {  	(erf) = vpow2.f32 v0;
	v0 =	vmul.f32 $1.442695020e+00, v1;
	v1 =	vsub.f32 v5, v13;
	_ =	sdelay $0x1  }
0x68: {  	(erf) = vpow2.f32 v0;
	v0 =	vmul.f32 $1.442695020e+00, v1  }
0x69: {  	v2 =	vsub.f32 v6, v13  }
0x6a: {  	v1 =	vpop (erf);
	(erf) = vpow2.f32 v0  }
0x6b: {  	v2 =	vmul.f32 $1.442695020e+00, v2;
	v4 =	vsub.f32 v7, v13  }
0x6c: {  	v3 =	vadd.f32 $0.0e+00, v1  }
0x6d: {  	v0 =	vpop (erf);
	(erf) = vpow2.f32 v2;
	v2 =	vmul.f32 $1.442695020e+00, v4;
	v4 =	vsub.f32 v8, v13  }
0x6e: {  	v3 =	vadd.f32 v3, v0  }
0x6f: {  	v5 =	vpop (erf);
	(erf) = vpow2.f32 v2;
	v2 =	vmul.f32 $1.442695020e+00, v4;
	v4 =	vsub.f32 v9, v13  }
0x70: {  	v3 =	vadd.f32 v3, v5  }
0x71: {  	v6 =	vpop (erf);
	(erf) = vpow2.f32 v2;
	v2 =	vmul.f32 $1.442695020e+00, v4;
	v4 =	vsub.f32 v10, v13  }
0x72: {  	v3 =	vadd.f32 v3, v6;
	v7 =	vpop (erf)  }
0x73: {  	v8 =	vpop (erf);
	(erf) = vpow2.f32 v2;
	v2 =	vmul.f32 $1.442695020e+00, v4;
	v4 =	vsub.f32 v11, v13  }
0x74: {  	v3 =	vadd.f32 v3, v7  }
0x75: {  	(erf) = vpow2.f32 v2;
	v2 =	vmul.f32 $1.442695020e+00, v4;
	v4 =	vsub.f32 v12, v13  }
0x76: {  	v3 =	vadd.f32 v3, v8  }
0x77: {  	v9 =	vpop (erf);
	(erf) = vpow2.f32 v2;
	v2 =	vmul.f32 $1.442695020e+00, v4  }
0x78: {  	v3 =	vadd.f32 v3, v9  }
0x79: {  	v4 =	vpop (erf)  }
0x7a: {  	(erf) = vpow2.f32 v2;
	v3 =	vadd.f32 v3, v4  }
0x7b: {  	v2 =	vpop (erf)  }
0x7c: {  	v3 =	vadd.f32 v3, v2  }
0x7d: {  	v10 =	vpop (erf)  }
0x7e: {  	v3 =	vadd.f32 v3, v10  }
0x7f: {  	v11 =	vpop (erf)  }
0x80: {  	v3 =	vadd.f32 v3, v11  }
0x81: {  	v12 =	vpop (erf)  }
0x82: {  	v3 =	vadd.f32 v3, v12  }
0x83: {  	v13 =	vpop (erf)  }
0x84: {  	[tilespmem:$0x12780] =	vst v1;
	v1 =	vadd.f32 v3, v13  }
0x85: {  	[tilespmem:$0x12790] =	vst v0  }
0x86: {  	[tilespmem:$0x127A0] =	vst v5;
	(xrf2) =	vadd.scan.msk.f32 $0xffff, v1  }
0x87: {  	[tilespmem:$0x127B0] =	vst v6  }
0x88: {  	[tilespmem:$0x127C0] =	vst v7  }
0x89: {  	[tilespmem:$0x127D0] =	vst v8  }
0x8a: {  	[tilespmem:$0x127E0] =	vst v9  }
0x8b: {  	[tilespmem:$0x127F0] =	vst v4  }
0x8c: {  	[tilespmem:$0x12800] =	vst v2  }
0x8d: {  	[tilespmem:$0x12810] =	vst v10  }
0x8e: {  	[tilespmem:$0x12820] =	vst v11  }
0x8f: {  	[tilespmem:$0x12830] =	vst v12  }
0x90: {  	[tilespmem:$0x12840] =	vst v13;
	v0, _, _ =	vpop (xrf2)  }
0x91: {  	_ =	swait.ge [sflag:s21], $0x3200  }
0x92: {  	[sflag:s21] =	ssyncset.done $0x0  }
0x93: {  	[sflag:s21] =	ssyncadd.s32 $0xFFFFCE00  }
0x94: {  	s13 =	simm.s32 $0x0;
	_ =	swait.ge [sflag:s21], $0x3200  }
0x95: {  	p0 =	seq.s32 s30, $0x0;
	v1 =	vmov s13;
	[sflag:s21] =	ssyncset.done $0x0  }
0x96: {  	s0 =	simm.s32 @!p0 $0x3;
	[sflag:s21] =	ssyncadd.s32 $0xFFFFCE00  }
0x97: {  	_ =	swait.ge @!p0 [sflag:s0], $0x80  }
0x98: {  	[sflag:s0] =	ssyncset.done @!p0 $0x0  }
0x99: {  	[sflag:s0] =	ssyncadd.s32 @!p0 $0xFFFFFF80  }
0x9a: {  	s14 =	simm.s32 $0x128C0;
	v9 =	vld.idx.msk [tilespmem:v1+s22+$0x0], $0xffff  }
0x9b: {  	v1 =	vld [tilespmem:s14+$0x30]  }
0x9c: {  	v2 =	vld [tilespmem:s14+$0xFFFFFFC0]  }
0x9d: {  	v3 =	vld [tilespmem:s14+$0xFFFFFFD0]  }
0x9e: {  	s15 =	simm.s32 $0x1;
	v5 =	vld [tilespmem:s14+$0xFFFFFFE0]  }
0x9f: {  	v4 =	vmov s15;
	v6 =	vld [tilespmem:s14+$0xFFFFFFF0]  }
0xa0: {  	v8 =	vld [tilespmem:s14+$0x0]  }
0xa1: {  	v13 =	vld [tilespmem:s14+$0x10]  }
0xa2: {  	s16 =	simm.s32 $0x2;
	v16 =	vld [tilespmem:s14+$0x20]  }
0xa3: {  	v14 =	vmov s16;
	v10 =	vmul.f32 v1, v9  }
0xa4: {  	v7 =	vimm.f32 $0.0e+00;
	s0 =	simm.s32 $0x12940;
	v11 =	vmul.f32 v2, v9;
	v12 =	vmul.f32 v3, v9;
	v1 =	vld.idx.msk [tilespmem:v4+s22+$0x0], $0xffff  }
0xa5: {  	v5 =	vmul.f32 v5, v9;
	v6 =	vmul.f32 v6, v9;
	v2 =	vadd.f32 v10, v7;
	v10 =	vld [tilespmem:s0+$0x30]  }
0xa6: {  	v8 =	vmul.f32 v8, v9;
	v15 =	vmul.f32 v13, v9;
	v3 =	vadd.f32 v11, v7;
	v11 =	vld [tilespmem:s0+$0xFFFFFFC0]  }
0xa7: {  	v16 =	vmul.f32 v16, v9;
	v4 =	vadd.f32 v12, v7;
	v5 =	vadd.f32 v5, v7;
	v12 =	vld [tilespmem:s0+$0xFFFFFFD0]  }
0xa8: {  	s13 =	sshll.u32 s30, $0x1;
	s14 =	simm.s32 $0x3;
	v13 =	vld [tilespmem:s0+$0xFFFFFFE0];
	v9 =	vimm.f32 $0.0e+00;
	v6 =	vadd.f32 v6, v7;
	v8 =	vadd.f32 v8, v7  }
.LBB2_3:
0xa9: {  	p1 =	sne.s32 s14, $0xC7;
	v17 =	vld [tilespmem:s0+$0xFFFFFFF0];
	v7 =	vadd.f32 v15, v7  }
0xaa: {  	v15 =	vld [tilespmem:s0+$0x0];
	v10 =	vmul.f32 v10, v1;
	v9 =	vadd.f32 v16, v9;
	v16 =	vmov v1  }
0xab: {  	v11 =	vmul.f32 v11, v16;
	v18 =	vld [tilespmem:s0+$0x10]  }
0xac: {  	v12 =	vmul.f32 v12, v16;
	v19 =	vld [tilespmem:s0+$0x20];
	v2 =	vadd.f32 v10, v2  }
.Ltmp2:
0xad: {  	s0 =	sadd.s32 $0x80, s0;
	v1 =	vld.idx.msk [tilespmem:v14+s22+$0x0], $0xffff;
	v3 =	vadd.f32 v11, v3;
	v13 =	vmul.f32 v13, v16;
	(pc) =	sbr.rel @p1 .LBB2_3-.Ltmp2, $4  }
0xae: {  	v10 =	vld [tilespmem:s0+$0x30];
	v4 =	vadd.f32 v12, v4;
	v14 =	vmul.f32 v17, v16  }
0xaf: {  	v11 =	vld [tilespmem:s0+$0xFFFFFFC0];
	v5 =	vadd.f32 v13, v5;
	v17 =	vmul.f32 v15, v16  }
0xb0: {  	v12 =	vld [tilespmem:s0+$0xFFFFFFD0];
	v6 =	vadd.f32 v14, v6;
	v15 =	vmul.f32 v18, v16  }
0xb1: {  	v14 =	vmov s14;
	s14 =	sadd.s32 $0x1, s14;
	v13 =	vld [tilespmem:s0+$0xFFFFFFE0];
	v8 =	vadd.f32 v17, v8;
	v16 =	vmul.f32 v19, v16  }
0xb2: {  	v17 =	vld [tilespmem:s0+$0xFFFFFFF0]  }
0xb3: {  	v18 =	vld [tilespmem:s0+$0x0]  }
0xb4: {  	v19 =	vld [tilespmem:s0+$0x10];
	v0 =	vbroadcast v0, $0xF  }
0xb5: {  	v20 =	vld [tilespmem:s0+$0x20]  }
0xb6: {  	v14 =	vld.idx.msk [tilespmem:v14+s22+$0x0], $0xffff;
	s14 =	sadd.s32 $0x80, s0;
	(erf) = vrcp.f32 v0  }
0xb7: {  	v7 =	vadd.f32 v15, v7;
	v10 =	vmul.f32 v10, v1;
	v0 =	vld [tilespmem:s14+$0xFFFFFFC0]  }
0xb8: {  	v15 =	vld [tilespmem:s14+$0xFFFFFFD0];
	v9 =	vadd.f32 v16, v9;
	v11 =	vmul.f32 v11, v1;
	v12 =	vmul.f32 v12, v1  }
0xb9: {  	v16 =	vld [tilespmem:s14+$0xFFFFFFE0];
	v2 =	vadd.f32 v10, v2;
	v13 =	vmul.f32 v13, v1;
	v10 =	vmul.f32 v17, v1  }
0xba: {  	v3 =	vadd.f32 v11, v3;
	v11 =	vld [tilespmem:s14+$0xFFFFFFF0];
	v4 =	vadd.f32 v12, v4;
	v12 =	vmul.f32 v18, v1  }
0xbb: {  	v5 =	vadd.f32 v13, v5;
	v13 =	vld [tilespmem:s14+$0x0];
	v6 =	vadd.f32 v10, v6;
	v10 =	vmul.f32 v19, v1  }
0xbc: {  	v17 =	vld [tilespmem:s14+$0x10];
	v0 =	vmul.f32 v0, v14  }
0xbd: {  	v8 =	vadd.f32 v12, v8;
	v1 =	vmul.f32 v20, v1;
	v12 =	vmul.f32 v15, v14;
	v15 =	vld [tilespmem:s14+$0x20]  }
0xbe: {  	v18 =	vld [tilespmem:s14+$0x30];
	v7 =	vadd.f32 v10, v7;
	v0 =	vadd.f32 v0, v3;
	v3 =	vmul.f32 v16, v14  }
0xbf: {  	v1 =	vadd.f32 v1, v9;
	v4 =	vadd.f32 v12, v4;
	v9 =	vmul.f32 v11, v14;
	v10 =	vpop (erf)  }
0xc0: {  	v3 =	vadd.f32 v3, v5;
	v5 =	vmul.f32 v13, v14;
	v0 =	vmul.f32 v0, v10  }
0xc1: {  	v6 =	vadd.f32 v9, v6;
	v9 =	vmul.f32 v17, v14;
	v4 =	vmul.f32 v4, v10  }
0xc2: {  	v5 =	vadd.f32 v5, v8;
	v8 =	vmul.f32 v15, v14;
	[tilespmem:$0x1F080] =	vst v0;
	v0 =	vmul.f32 v3, v10  }
0xc3: {  	v7 =	vadd.f32 v9, v7;
	v3 =	vmul.f32 v18, v14;
	[tilespmem:$0x1F090] =	vst v4;
	v4 =	vmul.f32 v6, v10  }
0xc4: {  	v1 =	vadd.f32 v8, v1;
	[tilespmem:$0x1F0A0] =	vst v0;
	v0 =	vmul.f32 v5, v10  }
0xc5: {  	v2 =	vadd.f32 v3, v2;
	[tilespmem:$0x1F0B0] =	vst v4;
	v3 =	vmul.f32 v7, v10  }
0xc6: {  	s15 =	sadd.s32 s5, s13;
	s14 =	sshll.u32 s30, $0x5;
	[tilespmem:$0x1F0C0] =	vst v0;
	v0 =	vmul.f32 v1, v10  }
0xc7: {  	s0 =	sshll.u32 s15, $0x4;
	s14 =	sand.u32 $0x60, s14;
	[tilespmem:$0x1F0D0] =	vst v3;
	v1 =	vmul.f32 v2, v10  }
0xc8: {  	s0 =	sand.u32 $0xFF80, s0;
	s14 =	sadd.s32 s3, s14;
	[tilespmem:$0x1F0E0] =	vst v0  }
0xc9: {  	p1 =	seq.s32 s30, $0x3F;
	s14 =	sadd.s32 s0, s14;
	[tilespmem:$0x1F0F0] =	vst v1  }
0xca: {  	[hbm4b:s14+s4] =	stream.linear.scatter [tilespmem:s23], [sflag:$0x3], $0x80, $0x38;
	[tilespmem:$0x1F180] =	vst v63  }
0xcb: {  	s15 =	simm.s32 @!p1 $0x64;
	s16 =	simm.s32 @!p1 $0x12880;
	s14 =	sadd.s32 @!p1 $0xA980, s31  }
0xcc: {  	[tilespmem:s16], [sflag:$0x1] =	stream.indirect.gather @!p1 [hbm4b:s2+s15], $0x80, s14, s15, $0xb8;
	[tilespmem:$0x1F180] =	vst v63  }
0xcd: {  	s13 =	sor.u32 $0x1, s13;
	s14 =	sadd.s32 @!p1 $0xAA00, s31;
	s16 =	simm.s32 @!p1 $0x15A80  }
0xce: {  	[tilespmem:s16], [sflag:$0x1] =	stream.indirect.gather @!p1 [hbm4b:s2+s15], $0x80, s14, s15, $0xb8;
	[tilespmem:$0x1F180] =	vst v63  }
0xcf: {  	s16 =	sshll.u32 s13, $0x7  }
0xd0: {  	s14 =	sand.u32 $0x380, s16  }
0xd1: {  	s1 =	sadd.s32 s14, s1  }
0xd2: {  	v0 =	vld [tilespmem:s1+$0x0];
	_ =	sdelay $0x7  }
0xd3: {  	v0 =	vld.idx.msk [tilespmem:v0+s4+$0x0], $0xffff;
	_ =	sdelay $0x4  }
0xd4: {  	[tilespmem:$0x12780] =	vst v0  }
0xd5: {  	v1 =	vld [tilespmem:s1+$0x10];
	_ =	sdelay $0x7  }
0xd6: {  	v1 =	vld.idx.msk [tilespmem:v1+s4+$0x0], $0xffff;
	_ =	sdelay $0x4  }
0xd7: {  	[tilespmem:$0x12790] =	vst v1  }
0xd8: {  	v2 =	vld [tilespmem:s1+$0x20];
	_ =	sdelay $0x7  }
0xd9: {  	v2 =	vld.idx.msk [tilespmem:v2+s4+$0x0], $0xffff;
	_ =	sdelay $0x4  }
0xda: {  	[tilespmem:$0x127A0] =	vst v2  }
0xdb: {  	v3 =	vld [tilespmem:s1+$0x30];
	_ =	sdelay $0x7  }
0xdc: {  	v3 =	vld.idx.msk [tilespmem:v3+s4+$0x0], $0xffff;
	_ =	sdelay $0x4  }
0xdd: {  	[tilespmem:$0x127B0] =	vst v3  }
0xde: {  	v4 =	vld [tilespmem:s1+$0x40];
	_ =	sdelay $0x7  }
0xdf: {  	v4 =	vld.idx.msk [tilespmem:v4+s4+$0x0], $0xffff;
	_ =	sdelay $0x4  }
0xe0: {  	[tilespmem:$0x127C0] =	vst v4  }
0xe1: {  	v5 =	vld [tilespmem:s1+$0x50];
	_ =	sdelay $0x7  }
0xe2: {  	v5 =	vld.idx.msk [tilespmem:v5+s4+$0x0], $0xffff;
	_ =	sdelay $0x4  }
0xe3: {  	[tilespmem:$0x127D0] =	vst v5  }
0xe4: {  	v6 =	vld [tilespmem:s1+$0x60];
	_ =	sdelay $0x7  }
0xe5: {  	v6 =	vld.idx.msk [tilespmem:v6+s4+$0x0], $0xffff;
	_ =	sdelay $0x4  }
0xe6: {  	[tilespmem:$0x127E0] =	vst v6  }
0xe7: {  	v7 =	vld [tilespmem:s1+$0x70];
	_ =	sdelay $0x7  }
0xe8: {  	v7 =	vld.idx.msk [tilespmem:v7+s4+$0x0], $0xffff;
	_ =	sdelay $0x4  }
0xe9: {  	[tilespmem:$0x127F0] =	vst v7  }
0xea: {  	v8 =	vld [tilespmem:s1+$0x400];
	_ =	sdelay $0x7  }
0xeb: {  	v8 =	vld.idx.msk [tilespmem:v8+s4+$0x0], $0xffff;
	_ =	sdelay $0x4  }
0xec: {  	[tilespmem:$0x12800] =	vst v8  }
0xed: {  	v9 =	vld [tilespmem:s1+$0x410];
	_ =	sdelay $0x7  }
0xee: {  	v9 =	vld.idx.msk [tilespmem:v9+s4+$0x0], $0xffff;
	_ =	sdelay $0x4  }
0xef: {  	[tilespmem:$0x12810] =	vst v9  }
0xf0: {  	v10 =	vld [tilespmem:s1+$0x420];
	_ =	sdelay $0x7  }
0xf1: {  	v10 =	vld.idx.msk [tilespmem:v10+s4+$0x0], $0xffff;
	_ =	sdelay $0x4  }
0xf2: {  	[tilespmem:$0x12820] =	vst v10  }
0xf3: {  	v11 =	vld [tilespmem:s1+$0x430];
	_ =	sdelay $0x7  }
0xf4: {  	v11 =	vld.idx.msk [tilespmem:v11+s4+$0x0], $0xffff;
	_ =	sdelay $0x4  }
0xf5: {  	[tilespmem:$0x12830] =	vst v11  }
0xf6: {  	v12 =	vld [tilespmem:s1+$0x440];
	_ =	sdelay $0x1  }
0xf7: {  	v13 =	vmax.f32 v0, $-3.000000010e+38  }
0xf8: {  	v13 =	vmax.f32 v13, v1  }
0xf9: {  	v13 =	vmax.f32 v13, v2  }
0xfa: {  	v13 =	vmax.f32 v13, v3  }
0xfb: {  	v13 =	vmax.f32 v13, v4  }
0xfc: {  	v13 =	vmax.f32 v13, v5  }
0xfd: {  	v13 =	vmax.f32 v13, v6;
	v12 =	vld.idx.msk [tilespmem:v12+s4+$0x0], $0xffff  }
0xfe: {  	v13 =	vmax.f32 v13, v7  }
0xff: {  	v13 =	vmax.f32 v13, v8  }
0x100: {  	v13 =	vmax.f32 v13, v9  }
0x101: {  	v13 =	vmax.f32 v13, v10  }
0x102: {  	v13 =	vmax.f32 v13, v11;
	v12 =	vnsel vm0, $0xFF61B1E6, v12  }
0x103: {  	v13 =	vmax.f32 v13, v12  }
0x104: {  	(xrf0) =	vmax.scan.msk.f32 $0xffff, v13;
	_ =	sdelay $0x5  }
0x105: {  	v13, _, _ =	vpop (xrf0)  }
0x106: {  	v13 =	vbroadcast v13, $0xF;
	_ =	sdelay $0x1  }
0x107: {  	v0 =	vsub.f32 v0, v13;
	_ =	sdelay $0x1  }
0x108: {  	v1 =	vsub.f32 v1, v13;
	v0 =	vmul.f32 $1.442695020e+00, v0;
	_ =	sdelay $0x1  }
0x109: {  	(erf) = vpow2.f32 v0;
	v0 =	vmul.f32 $1.442695020e+00, v1;
	v1 =	vsub.f32 v2, v13;
	_ =	sdelay $0x1  }
0x10a: {  	(erf) = vpow2.f32 v0;
	v0 =	vmul.f32 $1.442695020e+00, v1;
	v1 =	vsub.f32 v3, v13;
	_ =	sdelay $0x1  }
0x10b: {  	(erf) = vpow2.f32 v0;
	v0 =	vmul.f32 $1.442695020e+00, v1;
	v1 =	vsub.f32 v4, v13;
	_ =	sdelay $0x1  }
0x10c: {  	(erf) = vpow2.f32 v0;
	v0 =	vmul.f32 $1.442695020e+00, v1;
	v1 =	vsub.f32 v5, v13;
	_ =	sdelay $0x1  }
0x10d: {  	(erf) = vpow2.f32 v0;
	v0 =	vmul.f32 $1.442695020e+00, v1  }
0x10e: {  	v2 =	vsub.f32 v6, v13  }
0x10f: {  	v1 =	vpop (erf);
	(erf) = vpow2.f32 v0  }
0x110: {  	v2 =	vmul.f32 $1.442695020e+00, v2;
	v4 =	vsub.f32 v7, v13  }
0x111: {  	v3 =	vadd.f32 $0.0e+00, v1  }
0x112: {  	v0 =	vpop (erf);
	(erf) = vpow2.f32 v2;
	v2 =	vmul.f32 $1.442695020e+00, v4;
	v4 =	vsub.f32 v8, v13  }
0x113: {  	v3 =	vadd.f32 v3, v0  }
0x114: {  	v5 =	vpop (erf);
	(erf) = vpow2.f32 v2;
	v2 =	vmul.f32 $1.442695020e+00, v4;
	v4 =	vsub.f32 v9, v13  }
0x115: {  	v3 =	vadd.f32 v3, v5  }
0x116: {  	v6 =	vpop (erf);
	(erf) = vpow2.f32 v2;
	v2 =	vmul.f32 $1.442695020e+00, v4;
	v4 =	vsub.f32 v10, v13  }
0x117: {  	v3 =	vadd.f32 v3, v6;
	v7 =	vpop (erf)  }
0x118: {  	v8 =	vpop (erf);
	(erf) = vpow2.f32 v2;
	v2 =	vmul.f32 $1.442695020e+00, v4;
	v4 =	vsub.f32 v11, v13  }
0x119: {  	v3 =	vadd.f32 v3, v7  }
0x11a: {  	(erf) = vpow2.f32 v2;
	v2 =	vmul.f32 $1.442695020e+00, v4;
	v4 =	vsub.f32 v12, v13  }
0x11b: {  	v3 =	vadd.f32 v3, v8  }
0x11c: {  	v9 =	vpop (erf);
	(erf) = vpow2.f32 v2;
	v2 =	vmul.f32 $1.442695020e+00, v4  }
0x11d: {  	v3 =	vadd.f32 v3, v9  }
0x11e: {  	v4 =	vpop (erf)  }
0x11f: {  	(erf) = vpow2.f32 v2;
	v3 =	vadd.f32 v3, v4  }
0x120: {  	v2 =	vpop (erf)  }
0x121: {  	v3 =	vadd.f32 v3, v2  }
0x122: {  	v10 =	vpop (erf)  }
0x123: {  	v3 =	vadd.f32 v3, v10  }
0x124: {  	v11 =	vpop (erf)  }
0x125: {  	v3 =	vadd.f32 v3, v11  }
0x126: {  	v12 =	vpop (erf)  }
0x127: {  	v3 =	vadd.f32 v3, v12  }
0x128: {  	v13 =	vpop (erf)  }
0x129: {  	[tilespmem:$0x12780] =	vst v1;
	v1 =	vadd.f32 v3, v13  }
0x12a: {  	[tilespmem:$0x12790] =	vst v0  }
0x12b: {  	[tilespmem:$0x127A0] =	vst v5;
	(xrf2) =	vadd.scan.msk.f32 $0xffff, v1  }
0x12c: {  	[tilespmem:$0x127B0] =	vst v6  }
0x12d: {  	[tilespmem:$0x127C0] =	vst v7  }
0x12e: {  	[tilespmem:$0x127D0] =	vst v8  }
0x12f: {  	[tilespmem:$0x127E0] =	vst v9  }
0x130: {  	[tilespmem:$0x127F0] =	vst v4  }
0x131: {  	[tilespmem:$0x12800] =	vst v2  }
0x132: {  	[tilespmem:$0x12810] =	vst v10  }
0x133: {  	[tilespmem:$0x12820] =	vst v11  }
0x134: {  	[tilespmem:$0x12830] =	vst v12  }
0x135: {  	[tilespmem:$0x12840] =	vst v13;
	v0, _, _ =	vpop (xrf2)  }
0x136: {  	_ =	swait.ge [sflag:s24], $0x3200  }
0x137: {  	[sflag:s24] =	ssyncset.done $0x0  }
0x138: {  	[sflag:s24] =	ssyncadd.s32 $0xFFFFCE00  }
0x139: {  	s15 =	simm.s32 $0x0;
	_ =	swait.ge [sflag:s24], $0x3200  }
0x13a: {  	v1 =	vmov s15;
	[sflag:s24] =	ssyncset.done $0x0  }
0x13b: {  	s1 =	simm.s32 @!p0 $0x4;
	[sflag:s24] =	ssyncadd.s32 $0xFFFFCE00  }
0x13c: {  	_ =	swait.ge @!p0 [sflag:s1], $0x80  }
0x13d: {  	[sflag:s1] =	ssyncset.done @!p0 $0x0  }
0x13e: {  	[sflag:s1] =	ssyncadd.s32 @!p0 $0xFFFFFF80  }
0x13f: {  	s16 =	simm.s32 $0x18CC0;
	v9 =	vld.idx.msk [tilespmem:v1+s22+$0x0], $0xffff  }
0x140: {  	v1 =	vld [tilespmem:s16+$0x30]  }
0x141: {  	v2 =	vld [tilespmem:s16+$0xFFFFFFC0]  }
0x142: {  	v3 =	vld [tilespmem:s16+$0xFFFFFFD0]  }
0x143: {  	s15 =	simm.s32 $0x1;
	v5 =	vld [tilespmem:s16+$0xFFFFFFE0]  }
0x144: {  	v4 =	vmov s15;
	v6 =	vld [tilespmem:s16+$0xFFFFFFF0]  }
0x145: {  	v8 =	vld [tilespmem:s16+$0x0]  }
0x146: {  	v13 =	vld [tilespmem:s16+$0x10]  }
0x147: {  	v16 =	vld [tilespmem:s16+$0x20]  }
0x148: {  	v7 =	vimm.f32 $0.0e+00;
	s16 =	simm.s32 $0x2;
	v10 =	vmul.f32 v1, v9  }
0x149: {  	s1 =	simm.s32 $0x18D40;
	v14 =	vmov s16;
	v11 =	vmul.f32 v2, v9;
	v12 =	vmul.f32 v3, v9;
	v1 =	vld.idx.msk [tilespmem:v4+s22+$0x0], $0xffff  }
0x14a: {  	v5 =	vmul.f32 v5, v9;
	v6 =	vmul.f32 v6, v9;
	v2 =	vadd.f32 v10, v7;
	v10 =	vld [tilespmem:s1+$0x30]  }
0x14b: {  	v8 =	vmul.f32 v8, v9;
	v15 =	vmul.f32 v13, v9;
	v3 =	vadd.f32 v11, v7;
	v11 =	vld [tilespmem:s1+$0xFFFFFFC0]  }
0x14c: {  	v16 =	vmul.f32 v16, v9;
	v4 =	vadd.f32 v12, v7;
	v5 =	vadd.f32 v5, v7;
	v12 =	vld [tilespmem:s1+$0xFFFFFFD0]  }
0x14d: {  	s14 =	simm.s32 $0x3;
	v13 =	vld [tilespmem:s1+$0xFFFFFFE0];
	v9 =	vimm.f32 $0.0e+00;
	v6 =	vadd.f32 v6, v7;
	v8 =	vadd.f32 v8, v7  }
.LBB2_5:
0x14e: {  	p0 =	sne.s32 s14, $0xC7;
	v17 =	vld [tilespmem:s1+$0xFFFFFFF0];
	v7 =	vadd.f32 v15, v7  }
0x14f: {  	v15 =	vld [tilespmem:s1+$0x0];
	v10 =	vmul.f32 v10, v1;
	v9 =	vadd.f32 v16, v9;
	v16 =	vmov v1  }
0x150: {  	v11 =	vmul.f32 v11, v16;
	v18 =	vld [tilespmem:s1+$0x10]  }
0x151: {  	v12 =	vmul.f32 v12, v16;
	v19 =	vld [tilespmem:s1+$0x20];
	v2 =	vadd.f32 v10, v2  }
.Ltmp3:
0x152: {  	s1 =	sadd.s32 $0x80, s1;
	v1 =	vld.idx.msk [tilespmem:v14+s22+$0x0], $0xffff;
	v3 =	vadd.f32 v11, v3;
	v13 =	vmul.f32 v13, v16;
	(pc) =	sbr.rel @p0 .LBB2_5-.Ltmp3, $4  }
0x153: {  	v10 =	vld [tilespmem:s1+$0x30];
	v4 =	vadd.f32 v12, v4;
	v14 =	vmul.f32 v17, v16  }
0x154: {  	v11 =	vld [tilespmem:s1+$0xFFFFFFC0];
	v5 =	vadd.f32 v13, v5;
	v17 =	vmul.f32 v15, v16  }
0x155: {  	v12 =	vld [tilespmem:s1+$0xFFFFFFD0];
	v6 =	vadd.f32 v14, v6;
	v15 =	vmul.f32 v18, v16  }
0x156: {  	v14 =	vmov s14;
	s14 =	sadd.s32 $0x1, s14;
	v13 =	vld [tilespmem:s1+$0xFFFFFFE0];
	v8 =	vadd.f32 v17, v8;
	v16 =	vmul.f32 v19, v16  }
0x157: {  	v17 =	vld [tilespmem:s1+$0xFFFFFFF0]  }
0x158: {  	v18 =	vld [tilespmem:s1+$0x0]  }
0x159: {  	v19 =	vld [tilespmem:s1+$0x10]  }
0x15a: {  	v20 =	vld [tilespmem:s1+$0x20]  }
0x15b: {  	v14 =	vld.idx.msk [tilespmem:v14+s22+$0x0], $0xffff;
	s15 =	sadd.s32 $0x80, s1  }
0x15c: {  	v0 =	vbroadcast v0, $0xF;
	v38 =	vld [tilespmem:s15+$0xFFFFFFC0]  }
0x15d: {  	v39 =	vld [tilespmem:s15+$0xFFFFFFD0]  }
0x15e: {  	v40 =	vld [tilespmem:s15+$0xFFFFFFE0];
	(erf) = vrcp.f32 v0  }
0x15f: {  	v42 =	vld [tilespmem:s15+$0xFFFFFFF0]  }
0x160: {  	v7 =	vadd.f32 v15, v7;
	v10 =	vmul.f32 v10, v1;
	v44 =	vld [tilespmem:s15+$0x0];
	v11 =	vmul.f32 v11, v1  }
0x161: {  	v9 =	vadd.f32 v16, v9;
	v46 =	vld [tilespmem:s15+$0x10];
	v12 =	vmul.f32 v12, v1;
	v13 =	vmul.f32 v13, v1  }
0x162: {  	v49 =	vld [tilespmem:s15+$0x20];
	v2 =	vadd.f32 v10, v2;
	v41 =	vmul.f32 v17, v1;
	v43 =	vmul.f32 v18, v1  }
0x163: {  	v3 =	vadd.f32 v11, v3;
	v45 =	vmul.f32 v19, v1;
	v47 =	vmul.f32 v20, v1  }
0x164: {  	v4 =	vadd.f32 v12, v4;
	v0 =	vmul.f32 v38, v14;
	v48 =	vmul.f32 v39, v14  }
0x165: {  	v5 =	vadd.f32 v13, v5;
	v51 =	vmul.f32 v40, v14;
	v52 =	vmul.f32 v42, v14  }
0x166: {  	v50 =	vld [tilespmem:s15+$0x30];
	v54 =	vmul.f32 v44, v14;
	v55 =	vmul.f32 v46, v14;
	v0 =	vadd.f32 v0, v3  }
0x167: {  	v56 =	vmul.f32 v49, v14;
	v6 =	vadd.f32 v41, v6;
	v4 =	vadd.f32 v48, v4;
	v53 =	vpop (erf)  }
0x168: {  	v8 =	vadd.f32 v43, v8;
	v3 =	vadd.f32 v51, v5;
	v0 =	vmul.f32 v0, v53  }
0x169: {  	v7 =	vadd.f32 v45, v7;
	v6 =	vadd.f32 v52, v6;
	v4 =	vmul.f32 v4, v53  }
0x16a: {  	v1 =	vadd.f32 v47, v9;
	v5 =	vadd.f32 v54, v8;
	v57 =	vmul.f32 v3, v53;
	[tilespmem:$0x1F100] =	vst v0  }
0x16b: {  	v58 =	vmul.f32 v50, v14;
	v7 =	vadd.f32 v55, v7;
	v59 =	vmul.f32 v6, v53;
	[tilespmem:$0x1F110] =	vst v4  }
0x16c: {  	v1 =	vadd.f32 v56, v1;
	v60 =	vmul.f32 v5, v53;
	[tilespmem:$0x1F120] =	vst v57  }
0x16d: {  	v2 =	vadd.f32 v58, v2;
	v61 =	vmul.f32 v7, v53;
	[tilespmem:$0x1F130] =	vst v59  }
.Ltmp4:
0x16e: {  	s16 =	sshll.u32 s13, $0x4;
	v62 =	vmul.f32 v1, v53;
	[tilespmem:$0x1F140] =	vst v60;
	(pc) =	sbr.rel @p1 .LBB2_8-.Ltmp4, $4  }
0x16f: {  	s1 =	sand.u32 $0x70, s16;
	v63 =	vmul.f32 v2, v53;
	[tilespmem:$0x1F150] =	vst v61  }
0x170: {  	s1 =	sadd.s32 s3, s1;
	[tilespmem:$0x1F160] =	vst v62  }
0x171: {  	s0 =	sadd.s32 s0, s1;
	[tilespmem:$0x1F170] =	vst v63  }
0x172: {  	[hbm4b:s0+s4] =	stream.linear.scatter [tilespmem:s25], [sflag:$0x4], $0x80, $0x38;
	[tilespmem:$0x1F180] =	vst v63  }
.Ltmp5:
0x173: {  	(pc) =	sbr.rel .LBB2_2-.Ltmp5, $4  }
0x174: {  	s0 =	sadd.s32 $0xAA80, s31  }
0x175: {  	[tilespmem:s17], [sflag:$0x2] =	stream.indirect.gather [hbm4b:s2+s12], $0x80, s0, s12, $0xb8;
	[tilespmem:$0x1F180] =	vst v63  }
0x176: {  	s31 =	sadd.s32 $0xAB00, s31;
	s30 =	sadd.s32 $0x1, s30  }
0x177: {  	[tilespmem:s19], [sflag:$0x2] =	stream.indirect.gather [hbm4b:s2+s12], $0x80, s31, s12, $0xb8;
	[tilespmem:$0x1F180] =	vst v63  }
.LBB2_9:
0x178: {  	_ =	sfence.sel $0x180000  }
0x179: {  	[bflag:$0x0] =	sbarrier.arrive $0xFFFF  }
0x17a: {  	_ =	strace $0x90000047  }
0x17b: {  	s0 =	stileid.u32;
	[bflag:$0x2] =	sbarrier.arrive $0xFFFF  }
0x17c: {  	p0 =	sne.s32 s0, $0x0;
	s0 =	rddreg [dreg:$0x3]  }
0x17d: {  	s0 =	sadd.s32 @!p0 $0x100000, s0  }
0x17e: {  	[sflag:s0] =	ssyncadd.tile.s32 @!p0 $0x1;
	_ =	shalt  }
.Lfunc_end2:
_tile_overlayer_lowered:
.L_overlay_start_2:
0x17f: {  	(tag) =	ssettag $0x2  }
0x180: {  	s0 =	rddreg [dreg:$0x0];
	s2 =	stileid.u32  }
0x181: {  	s1 =	rddreg [dreg:$0x1];
	p0 =	sne.s32 s2, $0x0  }
0x182: {  	s3 =	rddreg [dreg:$0x2];
	[bflag:$0x3] =	sbarrier.arrive $0xFFFF;
	s2 =	simm.s32 @!p0 $0x1C05  }
0x183: {  	[timem:s3], [sflag:s2] =	dma.local @!p0 [hbm:s0], s1  }
0x184: {  	s0 =	simm.s32 @!p0 $0x5  }
0x185: {  	_ =	swait.ge @!p0 [sflag:s0], s1  }
0x186: {  	s1 =	ssub.s32 @!p0 $0x0, s1;
	[sflag:s0] =	ssyncset.done @!p0 $0x0  }
0x187: {  	[sflag:s0] =	ssyncadd.s32 @!p0 s1  }
0x188: {  	[bflag:$0x3] =	sbarrier.arrive $0xFFFF  }
0x189: {  	_ =	shalt  }

</sc_bundles>
